<compile_context>
chip_gen: v7x
topology: tpu7x:2x2x1
jax: 0.10.2.dev20260603
libtpu: 0.0.44.dev20260713+nightly
codegen_flags: <defaults>
</compile_context>

<pallas_src>
import functools

import jax
import jax.numpy as jnp
from jax import lax
from jax.experimental import pallas as pl
from jax.experimental.pallas import tpu as pltpu
from jax.experimental.pallas import tpu_sc as plsc

_NC = 2
_NS = 16
_NW = _NC * _NS

_CHUNK = 400
_NBUF = 4


@functools.partial(jax.jit, static_argnums=(2, 3))
def _gather_flat(idx_flat, table, b_per_w, n_chunks):
    d = table.shape[1]
    mesh = plsc.VectorSubcoreMesh(core_axis_name="c", subcore_axis_name="s")
    n_outer = n_chunks // _NBUF

    @functools.partial(
        pl.kernel,
        mesh=mesh,
        out_type=jax.ShapeDtypeStruct((idx_flat.shape[0], 128), jnp.float32),
        scratch_types=[
            pltpu.VMEM((_NBUF * _CHUNK,), jnp.int32),
            pltpu.VMEM((_NBUF, _CHUNK, d), jnp.float32),
        ]
        + [pltpu.SemaphoreType.DMA] * (3 * _NBUF),
        compiler_params=pltpu.CompilerParams(use_tc_tiling_on_sc=False),
    )
    def k(idx_hbm, table_hbm, out_hbm, idx_v, rows_v, *sems):
        idx_sem = sems[0:_NBUF]
        gat_sem = sems[_NBUF:2 * _NBUF]
        st_sem = sems[2 * _NBUF:3 * _NBUF]
        wid = lax.axis_index("s") * _NC + lax.axis_index("c")
        base = wid * b_per_w

        def idx_slice(b):
            return idx_v.at[pl.ds(b * _CHUNK, _CHUNK)]

        def dst(off):
            return out_hbm.at[pl.ds(off, _CHUNK), pl.ds(0, d)]

        for b in range(_NBUF):
            pltpu.async_copy(
                idx_hbm.at[pl.ds(base + b * _CHUNK, _CHUNK)],
                idx_slice(b), idx_sem[b])
        for b in range(2):
            pltpu.make_async_copy(
                idx_hbm.at[pl.ds(base + b * _CHUNK, _CHUNK)],
                idx_slice(b), idx_sem[b]).wait()
            pltpu.async_copy(table_hbm.at[idx_slice(b)], rows_v.at[b],
                             gat_sem[b])

        def outer(g, _):
            for b in range(_NBUF):
                c = g * _NBUF + b
                off = base + c * _CHUNK
                b2 = (b + 2) % _NBUF
                pltpu.make_async_copy(table_hbm.at[idx_slice(b)],
                                      rows_v.at[b], gat_sem[b]).wait()
                pltpu.async_copy(rows_v.at[b], dst(off), st_sem[b])
                @pl.when(c + _NBUF < n_chunks)
                def _():
                    pltpu.async_copy(
                        idx_hbm.at[pl.ds(off + _NBUF * _CHUNK, _CHUNK)],
                        idx_slice(b), idx_sem[b])
                @pl.when(c + 2 < n_chunks)
                def _():
                    pltpu.make_async_copy(
                        idx_hbm.at[pl.ds(off, _CHUNK)], idx_slice(b2),
                        idx_sem[b2]).wait()
                    @pl.when(c >= 2)
                    def _():
                        pltpu.make_async_copy(
                            rows_v.at[b2], dst(off), st_sem[b2]).wait()
                    pltpu.async_copy(table_hbm.at[idx_slice(b2)],
                                     rows_v.at[b2], gat_sem[b2])
            return 0

        lax.fori_loop(0, n_outer, outer, 0)

        for b in range(_NBUF):
            pltpu.make_async_copy(
                rows_v.at[b], dst(base), st_sem[b]).wait()

    return k(idx_flat, table)


def kernel(indices, table):
    n, s = indices.shape
    b_total = n * s
    assert b_total % (_NW * _CHUNK * _NBUF) == 0
    b_per_w = b_total // _NW
    n_chunks = b_per_w // _CHUNK
    idx_flat = indices.reshape(b_total).astype(jnp.int32)
    out = _gather_flat(idx_flat, table, b_per_w, n_chunks)
    return out[:, : table.shape[1]].reshape(n, s, table.shape[1])

# --- scband reference (transcript-rebuilt; emitter-appended) ---
"""Pipeline reference for scband-embedder-79585743995439 (READ-ONLY COPY).

The authoritative reference and input builder live on the scoring server;
editing this copy changes nothing except your own understanding.
"""

import jax, jax.numpy as jnp
import numpy as np


def setup_inputs(seed: int = 0) -> dict:
    key = jax.random.key(seed)
    k_idx, k_tab = jax.random.split(key)
    indices = jax.random.randint(k_idx, (16384, 200), 0, 100000, dtype=jnp.int64 if jax.config.jax_enable_x64 else jnp.int32)
    table = jax.random.normal(k_tab, (100000, 64), dtype=jnp.float32)
    return {"indices": indices, "table": table}


def reference(indices, table):
    # Faithful translation of Embedder.forward: tokenization/vocab lookup is
    # replaced by precomputed token indices; the module's compute is a pure
    # embedding gather: self.embedding(self.vocab.getValues(tokenized_str)).
    return jnp.take(table, indices, axis=0)

if __name__ == "__main__":
    import jax
    _d = setup_inputs()
    print(jax.jit(kernel)(*tuple(_d.values())))

</pallas_src>

<mosaic_0001>
#map = affine_map<(d0, d1) -> (0)>
#map1 = affine_map<(d0, d1) -> (0, 0)>
module attributes {stable_mosaic.version = 14 : i64} {
  func.func @k(%arg0: i32, %arg1: i32, %arg2: memref<3276800xi32, #tpu.memory_space<hbm>>, %arg3: memref<100000x64xf32, #tpu.memory_space<hbm>>, %arg4: memref<3276800x128xf32, #tpu.memory_space<hbm>>, %arg5: memref<1600xi32, #tpu.memory_space<vmem>>, %arg6: memref<4x400x64xf32, #tpu.memory_space<vmem>>, %arg7: memref<!tpu.dma_semaphore, #tpu.memory_space<semaphore_mem>>, %arg8: memref<!tpu.dma_semaphore, #tpu.memory_space<semaphore_mem>>, %arg9: memref<!tpu.dma_semaphore, #tpu.memory_space<semaphore_mem>>, %arg10: memref<!tpu.dma_semaphore, #tpu.memory_space<semaphore_mem>>, %arg11: memref<!tpu.dma_semaphore, #tpu.memory_space<semaphore_mem>>, %arg12: memref<!tpu.dma_semaphore, #tpu.memory_space<semaphore_mem>>, %arg13: memref<!tpu.dma_semaphore, #tpu.memory_space<semaphore_mem>>, %arg14: memref<!tpu.dma_semaphore, #tpu.memory_space<semaphore_mem>>, %arg15: memref<!tpu.dma_semaphore, #tpu.memory_space<semaphore_mem>>, %arg16: memref<!tpu.dma_semaphore, #tpu.memory_space<semaphore_mem>>, %arg17: memref<!tpu.dma_semaphore, #tpu.memory_space<semaphore_mem>>, %arg18: memref<!tpu.dma_semaphore, #tpu.memory_space<semaphore_mem>>) attributes {dimension_semantics = [#tpu.dimension_semantics<core_parallel>, #tpu.dimension_semantics<subcore_parallel>], iteration_bounds = array<i64: 2, 16>, scalar_prefetch = 0 : i64, scratch_operands = 14 : i64, tpu.core_type = #tpu.core_type<sc_vector_subcore>, window_params = [{transform_indices = #map}, {transform_indices = #map1}, {transform_indices = #map1}]} {
    %mul3A = arith.constant 2 : i32
    %mul3A_0 = arith.muli %arg1, %mul3A : i32
    %add3A = arith.addi %mul3A_0, %arg0 : i32
    %mul3A_1 = arith.constant 102400 : i32
    %mul3A_2 = arith.muli %add3A, %mul3A_1 : i32
    %add3A_3 = arith.constant 0 : i32
    %add3A_4 = arith.addi %mul3A_2, %add3A_3 : i32
    %dma_start3A = arith.constant 0 : i32
    %dma_start3A_5 = tpu.memref_slice %arg5[%dma_start3A] : memref<1600xi32, #tpu.memory_space<vmem>> -> memref<400xi32, #tpu.memory_space<vmem>>
    %dma_start3A_6 = tpu.memref_slice %arg2[%add3A_4] : memref<3276800xi32, #tpu.memory_space<hbm>> -> memref<400xi32, #tpu.memory_space<hbm>>
    %dma_start3A_7 = arith.constant 0 : i32
    %dma_start3A_8 = tpu.memref_slice %arg5[%dma_start3A_7] : memref<1600xi32, #tpu.memory_space<vmem>> -> memref<400xi32, #tpu.memory_space<vmem>>
    %dma_start3A_9 = tpu.memref_slice %arg2[%add3A_4] : memref<3276800xi32, #tpu.memory_space<hbm>> -> memref<400xi32, #tpu.memory_space<hbm>>
    tpu.enqueue_dma source(%dma_start3A_9 : memref<400xi32, #tpu.memory_space<hbm>>) target(%dma_start3A_8 : memref<400xi32, #tpu.memory_space<vmem>>) target_semaphore(%arg7 : memref<!tpu.dma_semaphore, #tpu.memory_space<semaphore_mem>>)
    %add3A_10 = arith.constant 400 : i32
    %add3A_11 = arith.addi %mul3A_2, %add3A_10 : i32
    %dma_start3A_12 = arith.constant 400 : i32
    %dma_start3A_13 = tpu.memref_slice %arg5[%dma_start3A_12] : memref<1600xi32, #tpu.memory_space<vmem>> -> memref<400xi32, #tpu.memory_space<vmem>>
    %dma_start3A_14 = tpu.memref_slice %arg2[%add3A_11] : memref<3276800xi32, #tpu.memory_space<hbm>> -> memref<400xi32, #tpu.memory_space<hbm>>
    %dma_start3A_15 = arith.constant 400 : i32
    %dma_start3A_16 = tpu.memref_slice %arg5[%dma_start3A_15] : memref<1600xi32, #tpu.memory_space<vmem>> -> memref<400xi32, #tpu.memory_space<vmem>>
    %dma_start3A_17 = tpu.memref_slice %arg2[%add3A_11] : memref<3276800xi32, #tpu.memory_space<hbm>> -> memref<400xi32, #tpu.memory_space<hbm>>
    tpu.enqueue_dma source(%dma_start3A_17 : memref<400xi32, #tpu.memory_space<hbm>>) target(%dma_start3A_16 : memref<400xi32, #tpu.memory_space<vmem>>) target_semaphore(%arg8 : memref<!tpu.dma_semaphore, #tpu.memory_space<semaphore_mem>>)
    %add3A_18 = arith.constant 800 : i32
    %add3A_19 = arith.addi %mul3A_2, %add3A_18 : i32
    %dma_start3A_20 = arith.constant 800 : i32
    %dma_start3A_21 = tpu.memref_slice %arg5[%dma_start3A_20] : memref<1600xi32, #tpu.memory_space<vmem>> -> memref<400xi32, #tpu.memory_space<vmem>>
    %dma_start3A_22 = tpu.memref_slice %arg2[%add3A_19] : memref<3276800xi32, #tpu.memory_space<hbm>> -> memref<400xi32, #tpu.memory_space<hbm>>
    %dma_start3A_23 = arith.constant 800 : i32
    %dma_start3A_24 = tpu.memref_slice %arg5[%dma_start3A_23] : memref<1600xi32, #tpu.memory_space<vmem>> -> memref<400xi32, #tpu.memory_space<vmem>>
    %dma_start3A_25 = tpu.memref_slice %arg2[%add3A_19] : memref<3276800xi32, #tpu.memory_space<hbm>> -> memref<400xi32, #tpu.memory_space<hbm>>
    tpu.enqueue_dma source(%dma_start3A_25 : memref<400xi32, #tpu.memory_space<hbm>>) target(%dma_start3A_24 : memref<400xi32, #tpu.memory_space<vmem>>) target_semaphore(%arg9 : memref<!tpu.dma_semaphore, #tpu.memory_space<semaphore_mem>>)
    %add3A_26 = arith.constant 1200 : i32
    %add3A_27 = arith.addi %mul3A_2, %add3A_26 : i32
    %dma_start3A_28 = arith.constant 1200 : i32
    %dma_start3A_29 = tpu.memref_slice %arg5[%dma_start3A_28] : memref<1600xi32, #tpu.memory_space<vmem>> -> memref<400xi32, #tpu.memory_space<vmem>>
    %dma_start3A_30 = tpu.memref_slice %arg2[%add3A_27] : memref<3276800xi32, #tpu.memory_space<hbm>> -> memref<400xi32, #tpu.memory_space<hbm>>
    %dma_start3A_31 = arith.constant 1200 : i32
    %dma_start3A_32 = tpu.memref_slice %arg5[%dma_start3A_31] : memref<1600xi32, #tpu.memory_space<vmem>> -> memref<400xi32, #tpu.memory_space<vmem>>
    %dma_start3A_33 = tpu.memref_slice %arg2[%add3A_27] : memref<3276800xi32, #tpu.memory_space<hbm>> -> memref<400xi32, #tpu.memory_space<hbm>>
    tpu.enqueue_dma source(%dma_start3A_33 : memref<400xi32, #tpu.memory_space<hbm>>) target(%dma_start3A_32 : memref<400xi32, #tpu.memory_space<vmem>>) target_semaphore(%arg10 : memref<!tpu.dma_semaphore, #tpu.memory_space<semaphore_mem>>)
    %add3A_34 = arith.constant 0 : i32
    %add3A_35 = arith.addi %mul3A_2, %add3A_34 : i32
    %dma_wait3A = arith.constant 0 : i32
    %dma_wait3A_36 = tpu.memref_slice %arg5[%dma_wait3A] : memref<1600xi32, #tpu.memory_space<vmem>> -> memref<400xi32, #tpu.memory_space<vmem>>
    %dma_wait3A_37 = tpu.memref_slice %arg2[%add3A_35] : memref<3276800xi32, #tpu.memory_space<hbm>> -> memref<400xi32, #tpu.memory_space<hbm>>
    %dma_wait3A_38 = arith.constant 0 : i32
    %dma_wait3A_39 = tpu.memref_slice %arg5[%dma_wait3A_38] : memref<1600xi32, #tpu.memory_space<vmem>> -> memref<400xi32, #tpu.memory_space<vmem>>
    %dma_wait3A_40 = tpu.memref_slice %arg2[%add3A_35] : memref<3276800xi32, #tpu.memory_space<hbm>> -> memref<400xi32, #tpu.memory_space<hbm>>
    tpu.wait_dma2 semaphore(%arg7 : memref<!tpu.dma_semaphore, #tpu.memory_space<semaphore_mem>>) src(%dma_wait3A_40 : memref<400xi32, #tpu.memory_space<hbm>>) dst(%dma_wait3A_39 : memref<400xi32, #tpu.memory_space<vmem>>)
    %dma_start3A_41 = arith.constant 0 : i32
    %dma_start3A_42 = arith.constant 0 : i32
    %dma_start3A_43 = arith.constant 0 : i32
    %dma_start3A_44 = tpu.memref_slice %arg6[%dma_start3A_41, %dma_start3A_42, %dma_start3A_43] : memref<4x400x64xf32, #tpu.memory_space<vmem>> -> memref<1x400x64xf32, #tpu.memory_space<vmem>>
    %dma_start3A_45 = tpu.memref_squeeze %dma_start3A_44 : memref<1x400x64xf32, #tpu.memory_space<vmem>> -> memref<400x64xf32, #tpu.memory_space<vmem>>
    %dma_start3A_46 = arith.constant 0 : i32
    %dma_start3A_47 = tpu.memref_slice %arg5[%dma_start3A_46] : memref<1600xi32, #tpu.memory_space<vmem>> -> memref<400xi32, #tpu.memory_space<vmem>>
    %dma_start3A_48 = arith.constant 0 : i32
    %dma_start3A_49 = arith.constant 0 : i32
    %dma_start3A_50 = tpu.memref_slice %arg3[%dma_start3A_48, %dma_start3A_49] : memref<100000x64xf32, #tpu.memory_space<hbm>> -> memref<100000x64xf32, #tpu.memory_space<hbm>>
    tpu.enqueue_indirect_dma source(%dma_start3A_50 : memref<100000x64xf32, #tpu.memory_space<hbm>>) target(%dma_start3A_45 : memref<400x64xf32, #tpu.memory_space<vmem>>) offsets(%dma_start3A_47 : memref<400xi32, #tpu.memory_space<vmem>>) semaphore(%arg11 : memref<!tpu.dma_semaphore, #tpu.memory_space<semaphore_mem>>)
    %add3A_51 = arith.constant 400 : i32
    %add3A_52 = arith.addi %mul3A_2, %add3A_51 : i32
    %dma_wait3A_53 = arith.constant 400 : i32
    %dma_wait3A_54 = tpu.memref_slice %arg5[%dma_wait3A_53] : memref<1600xi32, #tpu.memory_space<vmem>> -> memref<400xi32, #tpu.memory_space<vmem>>
    %dma_wait3A_55 = tpu.memref_slice %arg2[%add3A_52] : memref<3276800xi32, #tpu.memory_space<hbm>> -> memref<400xi32, #tpu.memory_space<hbm>>
    %dma_wait3A_56 = arith.constant 400 : i32
    %dma_wait3A_57 = tpu.memref_slice %arg5[%dma_wait3A_56] : memref<1600xi32, #tpu.memory_space<vmem>> -> memref<400xi32, #tpu.memory_space<vmem>>
    %dma_wait3A_58 = tpu.memref_slice %arg2[%add3A_52] : memref<3276800xi32, #tpu.memory_space<hbm>> -> memref<400xi32, #tpu.memory_space<hbm>>
    tpu.wait_dma2 semaphore(%arg8 : memref<!tpu.dma_semaphore, #tpu.memory_space<semaphore_mem>>) src(%dma_wait3A_58 : memref<400xi32, #tpu.memory_space<hbm>>) dst(%dma_wait3A_57 : memref<400xi32, #tpu.memory_space<vmem>>)
    %dma_start3A_59 = arith.constant 1 : i32
    %dma_start3A_60 = arith.constant 0 : i32
    %dma_start3A_61 = arith.constant 0 : i32
    %dma_start3A_62 = tpu.memref_slice %arg6[%dma_start3A_59, %dma_start3A_60, %dma_start3A_61] : memref<4x400x64xf32, #tpu.memory_space<vmem>> -> memref<1x400x64xf32, #tpu.memory_space<vmem>>
    %dma_start3A_63 = tpu.memref_squeeze %dma_start3A_62 : memref<1x400x64xf32, #tpu.memory_space<vmem>> -> memref<400x64xf32, #tpu.memory_space<vmem>>
    %dma_start3A_64 = arith.constant 400 : i32
    %dma_start3A_65 = tpu.memref_slice %arg5[%dma_start3A_64] : memref<1600xi32, #tpu.memory_space<vmem>> -> memref<400xi32, #tpu.memory_space<vmem>>
    %dma_start3A_66 = arith.constant 0 : i32
    %dma_start3A_67 = arith.constant 0 : i32
    %dma_start3A_68 = tpu.memref_slice %arg3[%dma_start3A_66, %dma_start3A_67] : memref<100000x64xf32, #tpu.memory_space<hbm>> -> memref<100000x64xf32, #tpu.memory_space<hbm>>
    tpu.enqueue_indirect_dma source(%dma_start3A_68 : memref<100000x64xf32, #tpu.memory_space<hbm>>) target(%dma_start3A_63 : memref<400x64xf32, #tpu.memory_space<vmem>>) offsets(%dma_start3A_65 : memref<400xi32, #tpu.memory_space<vmem>>) semaphore(%arg12 : memref<!tpu.dma_semaphore, #tpu.memory_space<semaphore_mem>>)
    %scan3A = arith.constant 0 : i32
    %scan3A_69 = arith.constant 0 : i32
    %scan3A_70 = arith.constant 64 : i32
    %scan3A_71 = arith.addi %scan3A_69, %scan3A_70 : i32
    %scan3A_72 = arith.constant 1 : i32
    %scan3A_73 = scf.for %scan3A_127 = %scan3A_69 to %scan3A_71 step %scan3A_72 iter_args(%scan3A_128 = %scan3A) -> (i32)  : i32 {
      %mul3A_129 = arith.constant 4 : i32
      %mul3A_130 = arith.muli %scan3A_127, %mul3A_129 : i32
      %add3A_131 = arith.constant 0 : i32
      %add3A_132 = arith.addi %mul3A_130, %add3A_131 : i32
      %mul3A_133 = arith.constant 400 : i32
      %mul3A_134 = arith.muli %add3A_132, %mul3A_133 : i32
      %add3A_135 = arith.addi %mul3A_2, %mul3A_134 : i32
      %dma_wait3A_136 = arith.constant 0 : i32
      %dma_wait3A_137 = arith.constant 0 : i32
      %dma_wait3A_138 = arith.constant 0 : i32
      %dma_wait3A_139 = tpu.memref_slice %arg6[%dma_wait3A_136, %dma_wait3A_137, %dma_wait3A_138] : memref<4x400x64xf32, #tpu.memory_space<vmem>> -> memref<1x400x64xf32, #tpu.memory_space<vmem>>
      %dma_wait3A_140 = tpu.memref_squeeze %dma_wait3A_139 : memref<1x400x64xf32, #tpu.memory_space<vmem>> -> memref<400x64xf32, #tpu.memory_space<vmem>>
      %dma_wait3A_141 = arith.constant 0 : i32
      %dma_wait3A_142 = tpu.memref_slice %arg5[%dma_wait3A_141] : memref<1600xi32, #tpu.memory_space<vmem>> -> memref<400xi32, #tpu.memory_space<vmem>>
      %dma_wait3A_143 = arith.constant 0 : i32
      %dma_wait3A_144 = arith.constant 0 : i32
      %dma_wait3A_145 = tpu.memref_slice %arg3[%dma_wait3A_143, %dma_wait3A_144] : memref<100000x64xf32, #tpu.memory_space<hbm>> -> memref<100000x64xf32, #tpu.memory_space<hbm>>
      tpu.wait_indirect_dma semaphore(%arg11 : memref<!tpu.dma_semaphore, #tpu.memory_space<semaphore_mem>>) src(%dma_wait3A_145 : memref<100000x64xf32, #tpu.memory_space<hbm>>) dst(%dma_wait3A_140 : memref<400x64xf32, #tpu.memory_space<vmem>>)
      %dma_start3A_146 = arith.constant 0 : i32
      %dma_start3A_147 = arith.constant 0 : i32
      %dma_start3A_148 = arith.constant 0 : i32
      %dma_start3A_149 = tpu.memref_slice %arg6[%dma_start3A_146, %dma_start3A_147, %dma_start3A_148] : memref<4x400x64xf32, #tpu.memory_space<vmem>> -> memref<1x400x64xf32, #tpu.memory_space<vmem>>
      %dma_start3A_150 = tpu.memref_squeeze %dma_start3A_149 : memref<1x400x64xf32, #tpu.memory_space<vmem>> -> memref<400x64xf32, #tpu.memory_space<vmem>>
      %dma_start3A_151 = arith.constant 0 : i32
      %dma_start3A_152 = tpu.memref_slice %arg4[%add3A_135, %dma_start3A_151] : memref<3276800x128xf32, #tpu.memory_space<hbm>> -> memref<400x64xf32, #tpu.memory_space<hbm>>
      %dma_start3A_153 = arith.constant 0 : i32
      %dma_start3A_154 = tpu.memref_slice %arg4[%add3A_135, %dma_start3A_153] : memref<3276800x128xf32, #tpu.memory_space<hbm>> -> memref<400x64xf32, #tpu.memory_space<hbm>>
      %dma_start3A_155 = arith.constant 0 : i32
      %dma_start3A_156 = arith.constant 0 : i32
      %dma_start3A_157 = tpu.memref_slice %arg6[%dma_start3A_146, %dma_start3A_155, %dma_start3A_156] : memref<4x400x64xf32, #tpu.memory_space<vmem>> -> memref<1x400x64xf32, #tpu.memory_space<vmem>>
      %dma_start3A_158 = tpu.memref_squeeze %dma_start3A_157 : memref<1x400x64xf32, #tpu.memory_space<vmem>> -> memref<400x64xf32, #tpu.memory_space<vmem>>
      tpu.enqueue_dma source(%dma_start3A_158 : memref<400x64xf32, #tpu.memory_space<vmem>>) target(%dma_start3A_154 : memref<400x64xf32, #tpu.memory_space<hbm>>) target_semaphore(%arg15 : memref<!tpu.dma_semaphore, #tpu.memory_space<semaphore_mem>>)
      %add3A_159 = arith.constant 4 : i32
      %add3A_160 = arith.addi %add3A_132, %add3A_159 : i32
      %lt3A = arith.constant 256 : i32
      %lt3A_161 = arith.cmpi slt, %add3A_160, %lt3A : i32
      %convert_element_type3A = arith.extui %lt3A_161 : i1 to i32
      %cond3A = arith.constant 0 : i32
      %cond3A_162 = arith.cmpi ne, %convert_element_type3A, %cond3A : i32
      scf.if %cond3A_162 {
        %add3A_303 = arith.constant 1600 : i32
        %add3A_304 = arith.addi %add3A_135, %add3A_303 : i32
        %dma_start3A_305 = arith.constant 0 : i32
        %dma_start3A_306 = tpu.memref_slice %arg5[%dma_start3A_305] : memref<1600xi32, #tpu.memory_space<vmem>> -> memref<400xi32, #tpu.memory_space<vmem>>
        %dma_start3A_307 = tpu.memref_slice %arg2[%add3A_304] : memref<3276800xi32, #tpu.memory_space<hbm>> -> memref<400xi32, #tpu.memory_space<hbm>>
        %dma_start3A_308 = arith.constant 0 : i32
        %dma_start3A_309 = tpu.memref_slice %arg5[%dma_start3A_308] : memref<1600xi32, #tpu.memory_space<vmem>> -> memref<400xi32, #tpu.memory_space<vmem>>
        %dma_start3A_310 = tpu.memref_slice %arg2[%add3A_304] : memref<3276800xi32, #tpu.memory_space<hbm>> -> memref<400xi32, #tpu.memory_space<hbm>>
        tpu.enqueue_dma source(%dma_start3A_310 : memref<400xi32, #tpu.memory_space<hbm>>) target(%dma_start3A_309 : memref<400xi32, #tpu.memory_space<vmem>>) target_semaphore(%arg7 : memref<!tpu.dma_semaphore, #tpu.memory_space<semaphore_mem>>)
      } else {
      }
      %add3A_163 = arith.constant 2 : i32
      %add3A_164 = arith.addi %add3A_132, %add3A_163 : i32
      %lt3A_165 = arith.constant 256 : i32
      %lt3A_166 = arith.cmpi slt, %add3A_164, %lt3A_165 : i32
      %convert_element_type3A_167 = arith.extui %lt3A_166 : i1 to i32
      %cond3A_168 = arith.constant 0 : i32
      %cond3A_169 = arith.cmpi ne, %convert_element_type3A_167, %cond3A_168 : i32
      scf.if %cond3A_169 {
        %dma_wait3A_303 = arith.constant 800 : i32
        %dma_wait3A_304 = tpu.memref_slice %arg5[%dma_wait3A_303] : memref<1600xi32, #tpu.memory_space<vmem>> -> memref<400xi32, #tpu.memory_space<vmem>>
        %dma_wait3A_305 = tpu.memref_slice %arg2[%add3A_135] : memref<3276800xi32, #tpu.memory_space<hbm>> -> memref<400xi32, #tpu.memory_space<hbm>>
        %dma_wait3A_306 = arith.constant 800 : i32
        %dma_wait3A_307 = tpu.memref_slice %arg5[%dma_wait3A_306] : memref<1600xi32, #tpu.memory_space<vmem>> -> memref<400xi32, #tpu.memory_space<vmem>>
        %dma_wait3A_308 = tpu.memref_slice %arg2[%add3A_135] : memref<3276800xi32, #tpu.memory_space<hbm>> -> memref<400xi32, #tpu.memory_space<hbm>>
        tpu.wait_dma2 semaphore(%arg9 : memref<!tpu.dma_semaphore, #tpu.memory_space<semaphore_mem>>) src(%dma_wait3A_308 : memref<400xi32, #tpu.memory_space<hbm>>) dst(%dma_wait3A_307 : memref<400xi32, #tpu.memory_space<vmem>>)
        %ge3A = arith.constant 2 : i32
        %ge3A_309 = arith.cmpi sge, %add3A_132, %ge3A : i32
        %convert_element_type3A_310 = arith.extui %ge3A_309 : i1 to i32
        %cond3A_311 = arith.constant 0 : i32
        %cond3A_312 = arith.cmpi ne, %convert_element_type3A_310, %cond3A_311 : i32
        scf.if %cond3A_312 {
          %dma_wait3A_323 = arith.constant 2 : i32
          %dma_wait3A_324 = arith.constant 0 : i32
          %dma_wait3A_325 = arith.constant 0 : i32
          %dma_wait3A_326 = tpu.memref_slice %arg6[%dma_wait3A_323, %dma_wait3A_324, %dma_wait3A_325] : memref<4x400x64xf32, #tpu.memory_space<vmem>> -> memref<1x400x64xf32, #tpu.memory_space<vmem>>
          %dma_wait3A_327 = tpu.memref_squeeze %dma_wait3A_326 : memref<1x400x64xf32, #tpu.memory_space<vmem>> -> memref<400x64xf32, #tpu.memory_space<vmem>>
          %dma_wait3A_328 = arith.constant 0 : i32
          %dma_wait3A_329 = tpu.memref_slice %arg4[%add3A_135, %dma_wait3A_328] : memref<3276800x128xf32, #tpu.memory_space<hbm>> -> memref<400x64xf32, #tpu.memory_space<hbm>>
          %dma_wait3A_330 = arith.constant 0 : i32
          %dma_wait3A_331 = tpu.memref_slice %arg4[%add3A_135, %dma_wait3A_330] : memref<3276800x128xf32, #tpu.memory_space<hbm>> -> memref<400x64xf32, #tpu.memory_space<hbm>>
          %dma_wait3A_332 = arith.constant 0 : i32
          %dma_wait3A_333 = arith.constant 0 : i32
          %dma_wait3A_334 = tpu.memref_slice %arg6[%dma_wait3A_323, %dma_wait3A_332, %dma_wait3A_333] : memref<4x400x64xf32, #tpu.memory_space<vmem>> -> memref<1x400x64xf32, #tpu.memory_space<vmem>>
          %dma_wait3A_335 = tpu.memref_squeeze %dma_wait3A_334 : memref<1x400x64xf32, #tpu.memory_space<vmem>> -> memref<400x64xf32, #tpu.memory_space<vmem>>
          tpu.wait_dma2 semaphore(%arg17 : memref<!tpu.dma_semaphore, #tpu.memory_space<semaphore_mem>>) src(%dma_wait3A_335 : memref<400x64xf32, #tpu.memory_space<vmem>>) dst(%dma_wait3A_331 : memref<400x64xf32, #tpu.memory_space<hbm>>)
        } else {
        }
        %dma_start3A_313 = arith.constant 2 : i32
        %dma_start3A_314 = arith.constant 0 : i32
        %dma_start3A_315 = arith.constant 0 : i32
        %dma_start3A_316 = tpu.memref_slice %arg6[%dma_start3A_313, %dma_start3A_314, %dma_start3A_315] : memref<4x400x64xf32, #tpu.memory_space<vmem>> -> memref<1x400x64xf32, #tpu.memory_space<vmem>>
        %dma_start3A_317 = tpu.memref_squeeze %dma_start3A_316 : memref<1x400x64xf32, #tpu.memory_space<vmem>> -> memref<400x64xf32, #tpu.memory_space<vmem>>
        %dma_start3A_318 = arith.constant 800 : i32
        %dma_start3A_319 = tpu.memref_slice %arg5[%dma_start3A_318] : memref<1600xi32, #tpu.memory_space<vmem>> -> memref<400xi32, #tpu.memory_space<vmem>>
        %dma_start3A_320 = arith.constant 0 : i32
        %dma_start3A_321 = arith.constant 0 : i32
        %dma_start3A_322 = tpu.memref_slice %arg3[%dma_start3A_320, %dma_start3A_321] : memref<100000x64xf32, #tpu.memory_space<hbm>> -> memref<100000x64xf32, #tpu.memory_space<hbm>>
        tpu.enqueue_indirect_dma source(%dma_start3A_322 : memref<100000x64xf32, #tpu.memory_space<hbm>>) target(%dma_start3A_317 : memref<400x64xf32, #tpu.memory_space<vmem>>) offsets(%dma_start3A_319 : memref<400xi32, #tpu.memory_space<vmem>>) semaphore(%arg13 : memref<!tpu.dma_semaphore, #tpu.memory_space<semaphore_mem>>)
      } else {
      }
      %mul3A_170 = arith.constant 4 : i32
      %mul3A_171 = arith.muli %scan3A_127, %mul3A_170 : i32
      %add3A_172 = arith.constant 1 : i32
      %add3A_173 = arith.addi %mul3A_171, %add3A_172 : i32
      %mul3A_174 = arith.constant 400 : i32
      %mul3A_175 = arith.muli %add3A_173, %mul3A_174 : i32
      %add3A_176 = arith.addi %mul3A_2, %mul3A_175 : i32
      %dma_wait3A_177 = arith.constant 1 : i32
      %dma_wait3A_178 = arith.constant 0 : i32
      %dma_wait3A_179 = arith.constant 0 : i32
      %dma_wait3A_180 = tpu.memref_slice %arg6[%dma_wait3A_177, %dma_wait3A_178, %dma_wait3A_179] : memref<4x400x64xf32, #tpu.memory_space<vmem>> -> memref<1x400x64xf32, #tpu.memory_space<vmem>>
      %dma_wait3A_181 = tpu.memref_squeeze %dma_wait3A_180 : memref<1x400x64xf32, #tpu.memory_space<vmem>> -> memref<400x64xf32, #tpu.memory_space<vmem>>
      %dma_wait3A_182 = arith.constant 400 : i32
      %dma_wait3A_183 = tpu.memref_slice %arg5[%dma_wait3A_182] : memref<1600xi32, #tpu.memory_space<vmem>> -> memref<400xi32, #tpu.memory_space<vmem>>
      %dma_wait3A_184 = arith.constant 0 : i32
      %dma_wait3A_185 = arith.constant 0 : i32
      %dma_wait3A_186 = tpu.memref_slice %arg3[%dma_wait3A_184, %dma_wait3A_185] : memref<100000x64xf32, #tpu.memory_space<hbm>> -> memref<100000x64xf32, #tpu.memory_space<hbm>>
      tpu.wait_indirect_dma semaphore(%arg12 : memref<!tpu.dma_semaphore, #tpu.memory_space<semaphore_mem>>) src(%dma_wait3A_186 : memref<100000x64xf32, #tpu.memory_space<hbm>>) dst(%dma_wait3A_181 : memref<400x64xf32, #tpu.memory_space<vmem>>)
      %dma_start3A_187 = arith.constant 1 : i32
      %dma_start3A_188 = arith.constant 0 : i32
      %dma_start3A_189 = arith.constant 0 : i32
      %dma_start3A_190 = tpu.memref_slice %arg6[%dma_start3A_187, %dma_start3A_188, %dma_start3A_189] : memref<4x400x64xf32, #tpu.memory_space<vmem>> -> memref<1x400x64xf32, #tpu.memory_space<vmem>>
      %dma_start3A_191 = tpu.memref_squeeze %dma_start3A_190 : memref<1x400x64xf32, #tpu.memory_space<vmem>> -> memref<400x64xf32, #tpu.memory_space<vmem>>
      %dma_start3A_192 = arith.constant 0 : i32
      %dma_start3A_193 = tpu.memref_slice %arg4[%add3A_176, %dma_start3A_192] : memref<3276800x128xf32, #tpu.memory_space<hbm>> -> memref<400x64xf32, #tpu.memory_space<hbm>>
      %dma_start3A_194 = arith.constant 0 : i32
      %dma_start3A_195 = tpu.memref_slice %arg4[%add3A_176, %dma_start3A_194] : memref<3276800x128xf32, #tpu.memory_space<hbm>> -> memref<400x64xf32, #tpu.memory_space<hbm>>
      %dma_start3A_196 = arith.constant 0 : i32
      %dma_start3A_197 = arith.constant 0 : i32
      %dma_start3A_198 = tpu.memref_slice %arg6[%dma_start3A_187, %dma_start3A_196, %dma_start3A_197] : memref<4x400x64xf32, #tpu.memory_space<vmem>> -> memref<1x400x64xf32, #tpu.memory_space<vmem>>
      %dma_start3A_199 = tpu.memref_squeeze %dma_start3A_198 : memref<1x400x64xf32, #tpu.memory_space<vmem>> -> memref<400x64xf32, #tpu.memory_space<vmem>>
      tpu.enqueue_dma source(%dma_start3A_199 : memref<400x64xf32, #tpu.memory_space<vmem>>) target(%dma_start3A_195 : memref<400x64xf32, #tpu.memory_space<hbm>>) target_semaphore(%arg16 : memref<!tpu.dma_semaphore, #tpu.memory_space<semaphore_mem>>)
      %add3A_200 = arith.constant 4 : i32
      %add3A_201 = arith.addi %add3A_173, %add3A_200 : i32
      %lt3A_202 = arith.constant 256 : i32
      %lt3A_203 = arith.cmpi slt, %add3A_201, %lt3A_202 : i32
      %convert_element_type3A_204 = arith.extui %lt3A_203 : i1 to i32
      %cond3A_205 = arith.constant 0 : i32
      %cond3A_206 = arith.cmpi ne, %convert_element_type3A_204, %cond3A_205 : i32
      scf.if %cond3A_206 {
        %add3A_303 = arith.constant 1600 : i32
        %add3A_304 = arith.addi %add3A_176, %add3A_303 : i32
        %dma_start3A_305 = arith.constant 400 : i32
        %dma_start3A_306 = tpu.memref_slice %arg5[%dma_start3A_305] : memref<1600xi32, #tpu.memory_space<vmem>> -> memref<400xi32, #tpu.memory_space<vmem>>
        %dma_start3A_307 = tpu.memref_slice %arg2[%add3A_304] : memref<3276800xi32, #tpu.memory_space<hbm>> -> memref<400xi32, #tpu.memory_space<hbm>>
        %dma_start3A_308 = arith.constant 400 : i32
        %dma_start3A_309 = tpu.memref_slice %arg5[%dma_start3A_308] : memref<1600xi32, #tpu.memory_space<vmem>> -> memref<400xi32, #tpu.memory_space<vmem>>
        %dma_start3A_310 = tpu.memref_slice %arg2[%add3A_304] : memref<3276800xi32, #tpu.memory_space<hbm>> -> memref<400xi32, #tpu.memory_space<hbm>>
        tpu.enqueue_dma source(%dma_start3A_310 : memref<400xi32, #tpu.memory_space<hbm>>) target(%dma_start3A_309 : memref<400xi32, #tpu.memory_space<vmem>>) target_semaphore(%arg8 : memref<!tpu.dma_semaphore, #tpu.memory_space<semaphore_mem>>)
      } else {
      }
      %add3A_207 = arith.constant 2 : i32
      %add3A_208 = arith.addi %add3A_173, %add3A_207 : i32
      %lt3A_209 = arith.constant 256 : i32
      %lt3A_210 = arith.cmpi slt, %add3A_208, %lt3A_209 : i32
      %convert_element_type3A_211 = arith.extui %lt3A_210 : i1 to i32
      %cond3A_212 = arith.constant 0 : i32
      %cond3A_213 = arith.cmpi ne, %convert_element_type3A_211, %cond3A_212 : i32
      scf.if %cond3A_213 {
        %dma_wait3A_303 = arith.constant 1200 : i32
        %dma_wait3A_304 = tpu.memref_slice %arg5[%dma_wait3A_303] : memref<1600xi32, #tpu.memory_space<vmem>> -> memref<400xi32, #tpu.memory_space<vmem>>
        %dma_wait3A_305 = tpu.memref_slice %arg2[%add3A_176] : memref<3276800xi32, #tpu.memory_space<hbm>> -> memref<400xi32, #tpu.memory_space<hbm>>
        %dma_wait3A_306 = arith.constant 1200 : i32
        %dma_wait3A_307 = tpu.memref_slice %arg5[%dma_wait3A_306] : memref<1600xi32, #tpu.memory_space<vmem>> -> memref<400xi32, #tpu.memory_space<vmem>>
        %dma_wait3A_308 = tpu.memref_slice %arg2[%add3A_176] : memref<3276800xi32, #tpu.memory_space<hbm>> -> memref<400xi32, #tpu.memory_space<hbm>>
        tpu.wait_dma2 semaphore(%arg10 : memref<!tpu.dma_semaphore, #tpu.memory_space<semaphore_mem>>) src(%dma_wait3A_308 : memref<400xi32, #tpu.memory_space<hbm>>) dst(%dma_wait3A_307 : memref<400xi32, #tpu.memory_space<vmem>>)
        %ge3A = arith.constant 2 : i32
        %ge3A_309 = arith.cmpi sge, %add3A_173, %ge3A : i32
        %convert_element_type3A_310 = arith.extui %ge3A_309 : i1 to i32
        %cond3A_311 = arith.constant 0 : i32
        %cond3A_312 = arith.cmpi ne, %convert_element_type3A_310, %cond3A_311 : i32
        scf.if %cond3A_312 {
          %dma_wait3A_323 = arith.constant 3 : i32
          %dma_wait3A_324 = arith.constant 0 : i32
          %dma_wait3A_325 = arith.constant 0 : i32
          %dma_wait3A_326 = tpu.memref_slice %arg6[%dma_wait3A_323, %dma_wait3A_324, %dma_wait3A_325] : memref<4x400x64xf32, #tpu.memory_space<vmem>> -> memref<1x400x64xf32, #tpu.memory_space<vmem>>
          %dma_wait3A_327 = tpu.memref_squeeze %dma_wait3A_326 : memref<1x400x64xf32, #tpu.memory_space<vmem>> -> memref<400x64xf32, #tpu.memory_space<vmem>>
          %dma_wait3A_328 = arith.constant 0 : i32
          %dma_wait3A_329 = tpu.memref_slice %arg4[%add3A_176, %dma_wait3A_328] : memref<3276800x128xf32, #tpu.memory_space<hbm>> -> memref<400x64xf32, #tpu.memory_space<hbm>>
          %dma_wait3A_330 = arith.constant 0 : i32
          %dma_wait3A_331 = tpu.memref_slice %arg4[%add3A_176, %dma_wait3A_330] : memref<3276800x128xf32, #tpu.memory_space<hbm>> -> memref<400x64xf32, #tpu.memory_space<hbm>>
          %dma_wait3A_332 = arith.constant 0 : i32
          %dma_wait3A_333 = arith.constant 0 : i32
          %dma_wait3A_334 = tpu.memref_slice %arg6[%dma_wait3A_323, %dma_wait3A_332, %dma_wait3A_333] : memref<4x400x64xf32, #tpu.memory_space<vmem>> -> memref<1x400x64xf32, #tpu.memory_space<vmem>>
          %dma_wait3A_335 = tpu.memref_squeeze %dma_wait3A_334 : memref<1x400x64xf32, #tpu.memory_space<vmem>> -> memref<400x64xf32, #tpu.memory_space<vmem>>
          tpu.wait_dma2 semaphore(%arg18 : memref<!tpu.dma_semaphore, #tpu.memory_space<semaphore_mem>>) src(%dma_wait3A_335 : memref<400x64xf32, #tpu.memory_space<vmem>>) dst(%dma_wait3A_331 : memref<400x64xf32, #tpu.memory_space<hbm>>)
        } else {
        }
        %dma_start3A_313 = arith.constant 3 : i32
        %dma_start3A_314 = arith.constant 0 : i32
        %dma_start3A_315 = arith.constant 0 : i32
        %dma_start3A_316 = tpu.memref_slice %arg6[%dma_start3A_313, %dma_start3A_314, %dma_start3A_315] : memref<4x400x64xf32, #tpu.memory_space<vmem>> -> memref<1x400x64xf32, #tpu.memory_space<vmem>>
        %dma_start3A_317 = tpu.memref_squeeze %dma_start3A_316 : memref<1x400x64xf32, #tpu.memory_space<vmem>> -> memref<400x64xf32, #tpu.memory_space<vmem>>
        %dma_start3A_318 = arith.constant 1200 : i32
        %dma_start3A_319 = tpu.memref_slice %arg5[%dma_start3A_318] : memref<1600xi32, #tpu.memory_space<vmem>> -> memref<400xi32, #tpu.memory_space<vmem>>
        %dma_start3A_320 = arith.constant 0 : i32
        %dma_start3A_321 = arith.constant 0 : i32
        %dma_start3A_322 = tpu.memref_slice %arg3[%dma_start3A_320, %dma_start3A_321] : memref<100000x64xf32, #tpu.memory_space<hbm>> -> memref<100000x64xf32, #tpu.memory_space<hbm>>
        tpu.enqueue_indirect_dma source(%dma_start3A_322 : memref<100000x64xf32, #tpu.memory_space<hbm>>) target(%dma_start3A_317 : memref<400x64xf32, #tpu.memory_space<vmem>>) offsets(%dma_start3A_319 : memref<400xi32, #tpu.memory_space<vmem>>) semaphore(%arg14 : memref<!tpu.dma_semaphore, #tpu.memory_space<semaphore_mem>>)
      } else {
      }
      %mul3A_214 = arith.constant 4 : i32
      %mul3A_215 = arith.muli %scan3A_127, %mul3A_214 : i32
      %add3A_216 = arith.constant 2 : i32
      %add3A_217 = arith.addi %mul3A_215, %add3A_216 : i32
      %mul3A_218 = arith.constant 400 : i32
      %mul3A_219 = arith.muli %add3A_217, %mul3A_218 : i32
      %add3A_220 = arith.addi %mul3A_2, %mul3A_219 : i32
      %dma_wait3A_221 = arith.constant 2 : i32
      %dma_wait3A_222 = arith.constant 0 : i32
      %dma_wait3A_223 = arith.constant 0 : i32
      %dma_wait3A_224 = tpu.memref_slice %arg6[%dma_wait3A_221, %dma_wait3A_222, %dma_wait3A_223] : memref<4x400x64xf32, #tpu.memory_space<vmem>> -> memref<1x400x64xf32, #tpu.memory_space<vmem>>
      %dma_wait3A_225 = tpu.memref_squeeze %dma_wait3A_224 : memref<1x400x64xf32, #tpu.memory_space<vmem>> -> memref<400x64xf32, #tpu.memory_space<vmem>>
      %dma_wait3A_226 = arith.constant 800 : i32
      %dma_wait3A_227 = tpu.memref_slice %arg5[%dma_wait3A_226] : memref<1600xi32, #tpu.memory_space<vmem>> -> memref<400xi32, #tpu.memory_space<vmem>>
      %dma_wait3A_228 = arith.constant 0 : i32
      %dma_wait3A_229 = arith.constant 0 : i32
      %dma_wait3A_230 = tpu.memref_slice %arg3[%dma_wait3A_228, %dma_wait3A_229] : memref<100000x64xf32, #tpu.memory_space<hbm>> -> memref<100000x64xf32, #tpu.memory_space<hbm>>
      tpu.wait_indirect_dma semaphore(%arg13 : memref<!tpu.dma_semaphore, #tpu.memory_space<semaphore_mem>>) src(%dma_wait3A_230 : memref<100000x64xf32, #tpu.memory_space<hbm>>) dst(%dma_wait3A_225 : memref<400x64xf32, #tpu.memory_space<vmem>>)
      %dma_start3A_231 = arith.constant 2 : i32
      %dma_start3A_232 = arith.constant 0 : i32
      %dma_start3A_233 = arith.constant 0 : i32
      %dma_start3A_234 = tpu.memref_slice %arg6[%dma_start3A_231, %dma_start3A_232, %dma_start3A_233] : memref<4x400x64xf32, #tpu.memory_space<vmem>> -> memref<1x400x64xf32, #tpu.memory_space<vmem>>
      %dma_start3A_235 = tpu.memref_squeeze %dma_start3A_234 : memref<1x400x64xf32, #tpu.memory_space<vmem>> -> memref<400x64xf32, #tpu.memory_space<vmem>>
      %dma_start3A_236 = arith.constant 0 : i32
      %dma_start3A_237 = tpu.memref_slice %arg4[%add3A_220, %dma_start3A_236] : memref<3276800x128xf32, #tpu.memory_space<hbm>> -> memref<400x64xf32, #tpu.memory_space<hbm>>
      %dma_start3A_238 = arith.constant 0 : i32
      %dma_start3A_239 = tpu.memref_slice %arg4[%add3A_220, %dma_start3A_238] : memref<3276800x128xf32, #tpu.memory_space<hbm>> -> memref<400x64xf32, #tpu.memory_space<hbm>>
      %dma_start3A_240 = arith.constant 0 : i32
      %dma_start3A_241 = arith.constant 0 : i32
      %dma_start3A_242 = tpu.memref_slice %arg6[%dma_start3A_231, %dma_start3A_240, %dma_start3A_241] : memref<4x400x64xf32, #tpu.memory_space<vmem>> -> memref<1x400x64xf32, #tpu.memory_space<vmem>>
      %dma_start3A_243 = tpu.memref_squeeze %dma_start3A_242 : memref<1x400x64xf32, #tpu.memory_space<vmem>> -> memref<400x64xf32, #tpu.memory_space<vmem>>
      tpu.enqueue_dma source(%dma_start3A_243 : memref<400x64xf32, #tpu.memory_space<vmem>>) target(%dma_start3A_239 : memref<400x64xf32, #tpu.memory_space<hbm>>) target_semaphore(%arg17 : memref<!tpu.dma_semaphore, #tpu.memory_space<semaphore_mem>>)
      %add3A_244 = arith.constant 4 : i32
      %add3A_245 = arith.addi %add3A_217, %add3A_244 : i32
      %lt3A_246 = arith.constant 256 : i32
      %lt3A_247 = arith.cmpi slt, %add3A_245, %lt3A_246 : i32
      %convert_element_type3A_248 = arith.extui %lt3A_247 : i1 to i32
      %cond3A_249 = arith.constant 0 : i32
      %cond3A_250 = arith.cmpi ne, %convert_element_type3A_248, %cond3A_249 : i32
      scf.if %cond3A_250 {
        %add3A_303 = arith.constant 1600 : i32
        %add3A_304 = arith.addi %add3A_220, %add3A_303 : i32
        %dma_start3A_305 = arith.constant 800 : i32
        %dma_start3A_306 = tpu.memref_slice %arg5[%dma_start3A_305] : memref<1600xi32, #tpu.memory_space<vmem>> -> memref<400xi32, #tpu.memory_space<vmem>>
        %dma_start3A_307 = tpu.memref_slice %arg2[%add3A_304] : memref<3276800xi32, #tpu.memory_space<hbm>> -> memref<400xi32, #tpu.memory_space<hbm>>
        %dma_start3A_308 = arith.constant 800 : i32
        %dma_start3A_309 = tpu.memref_slice %arg5[%dma_start3A_308] : memref<1600xi32, #tpu.memory_space<vmem>> -> memref<400xi32, #tpu.memory_space<vmem>>
        %dma_start3A_310 = tpu.memref_slice %arg2[%add3A_304] : memref<3276800xi32, #tpu.memory_space<hbm>> -> memref<400xi32, #tpu.memory_space<hbm>>
        tpu.enqueue_dma source(%dma_start3A_310 : memref<400xi32, #tpu.memory_space<hbm>>) target(%dma_start3A_309 : memref<400xi32, #tpu.memory_space<vmem>>) target_semaphore(%arg9 : memref<!tpu.dma_semaphore, #tpu.memory_space<semaphore_mem>>)
      } else {
      }
      %add3A_251 = arith.constant 2 : i32
      %add3A_252 = arith.addi %add3A_217, %add3A_251 : i32
      %lt3A_253 = arith.constant 256 : i32
      %lt3A_254 = arith.cmpi slt, %add3A_252, %lt3A_253 : i32
      %convert_element_type3A_255 = arith.extui %lt3A_254 : i1 to i32
      %cond3A_256 = arith.constant 0 : i32
      %cond3A_257 = arith.cmpi ne, %convert_element_type3A_255, %cond3A_256 : i32
      scf.if %cond3A_257 {
        %dma_wait3A_303 = arith.constant 0 : i32
        %dma_wait3A_304 = tpu.memref_slice %arg5[%dma_wait3A_303] : memref<1600xi32, #tpu.memory_space<vmem>> -> memref<400xi32, #tpu.memory_space<vmem>>
        %dma_wait3A_305 = tpu.memref_slice %arg2[%add3A_220] : memref<3276800xi32, #tpu.memory_space<hbm>> -> memref<400xi32, #tpu.memory_space<hbm>>
        %dma_wait3A_306 = arith.constant 0 : i32
        %dma_wait3A_307 = tpu.memref_slice %arg5[%dma_wait3A_306] : memref<1600xi32, #tpu.memory_space<vmem>> -> memref<400xi32, #tpu.memory_space<vmem>>
        %dma_wait3A_308 = tpu.memref_slice %arg2[%add3A_220] : memref<3276800xi32, #tpu.memory_space<hbm>> -> memref<400xi32, #tpu.memory_space<hbm>>
        tpu.wait_dma2 semaphore(%arg7 : memref<!tpu.dma_semaphore, #tpu.memory_space<semaphore_mem>>) src(%dma_wait3A_308 : memref<400xi32, #tpu.memory_space<hbm>>) dst(%dma_wait3A_307 : memref<400xi32, #tpu.memory_space<vmem>>)
        %ge3A = arith.constant 2 : i32
        %ge3A_309 = arith.cmpi sge, %add3A_217, %ge3A : i32
        %convert_element_type3A_310 = arith.extui %ge3A_309 : i1 to i32
        %cond3A_311 = arith.constant 0 : i32
        %cond3A_312 = arith.cmpi ne, %convert_element_type3A_310, %cond3A_311 : i32
        scf.if %cond3A_312 {
          %dma_wait3A_323 = arith.constant 0 : i32
          %dma_wait3A_324 = arith.constant 0 : i32
          %dma_wait3A_325 = arith.constant 0 : i32
          %dma_wait3A_326 = tpu.memref_slice %arg6[%dma_wait3A_323, %dma_wait3A_324, %dma_wait3A_325] : memref<4x400x64xf32, #tpu.memory_space<vmem>> -> memref<1x400x64xf32, #tpu.memory_space<vmem>>
          %dma_wait3A_327 = tpu.memref_squeeze %dma_wait3A_326 : memref<1x400x64xf32, #tpu.memory_space<vmem>> -> memref<400x64xf32, #tpu.memory_space<vmem>>
          %dma_wait3A_328 = arith.constant 0 : i32
          %dma_wait3A_329 = tpu.memref_slice %arg4[%add3A_220, %dma_wait3A_328] : memref<3276800x128xf32, #tpu.memory_space<hbm>> -> memref<400x64xf32, #tpu.memory_space<hbm>>
          %dma_wait3A_330 = arith.constant 0 : i32
          %dma_wait3A_331 = tpu.memref_slice %arg4[%add3A_220, %dma_wait3A_330] : memref<3276800x128xf32, #tpu.memory_space<hbm>> -> memref<400x64xf32, #tpu.memory_space<hbm>>
          %dma_wait3A_332 = arith.constant 0 : i32
          %dma_wait3A_333 = arith.constant 0 : i32
          %dma_wait3A_334 = tpu.memref_slice %arg6[%dma_wait3A_323, %dma_wait3A_332, %dma_wait3A_333] : memref<4x400x64xf32, #tpu.memory_space<vmem>> -> memref<1x400x64xf32, #tpu.memory_space<vmem>>
          %dma_wait3A_335 = tpu.memref_squeeze %dma_wait3A_334 : memref<1x400x64xf32, #tpu.memory_space<vmem>> -> memref<400x64xf32, #tpu.memory_space<vmem>>
          tpu.wait_dma2 semaphore(%arg15 : memref<!tpu.dma_semaphore, #tpu.memory_space<semaphore_mem>>) src(%dma_wait3A_335 : memref<400x64xf32, #tpu.memory_space<vmem>>) dst(%dma_wait3A_331 : memref<400x64xf32, #tpu.memory_space<hbm>>)
        } else {
        }
        %dma_start3A_313 = arith.constant 0 : i32
        %dma_start3A_314 = arith.constant 0 : i32
        %dma_start3A_315 = arith.constant 0 : i32
        %dma_start3A_316 = tpu.memref_slice %arg6[%dma_start3A_313, %dma_start3A_314, %dma_start3A_315] : memref<4x400x64xf32, #tpu.memory_space<vmem>> -> memref<1x400x64xf32, #tpu.memory_space<vmem>>
        %dma_start3A_317 = tpu.memref_squeeze %dma_start3A_316 : memref<1x400x64xf32, #tpu.memory_space<vmem>> -> memref<400x64xf32, #tpu.memory_space<vmem>>
        %dma_start3A_318 = arith.constant 0 : i32
        %dma_start3A_319 = tpu.memref_slice %arg5[%dma_start3A_318] : memref<1600xi32, #tpu.memory_space<vmem>> -> memref<400xi32, #tpu.memory_space<vmem>>
        %dma_start3A_320 = arith.constant 0 : i32
        %dma_start3A_321 = arith.constant 0 : i32
        %dma_start3A_322 = tpu.memref_slice %arg3[%dma_start3A_320, %dma_start3A_321] : memref<100000x64xf32, #tpu.memory_space<hbm>> -> memref<100000x64xf32, #tpu.memory_space<hbm>>
        tpu.enqueue_indirect_dma source(%dma_start3A_322 : memref<100000x64xf32, #tpu.memory_space<hbm>>) target(%dma_start3A_317 : memref<400x64xf32, #tpu.memory_space<vmem>>) offsets(%dma_start3A_319 : memref<400xi32, #tpu.memory_space<vmem>>) semaphore(%arg11 : memref<!tpu.dma_semaphore, #tpu.memory_space<semaphore_mem>>)
      } else {
      }
      %mul3A_258 = arith.constant 4 : i32
      %mul3A_259 = arith.muli %scan3A_127, %mul3A_258 : i32
      %add3A_260 = arith.constant 3 : i32
      %add3A_261 = arith.addi %mul3A_259, %add3A_260 : i32
      %mul3A_262 = arith.constant 400 : i32
      %mul3A_263 = arith.muli %add3A_261, %mul3A_262 : i32
      %add3A_264 = arith.addi %mul3A_2, %mul3A_263 : i32
      %dma_wait3A_265 = arith.constant 3 : i32
      %dma_wait3A_266 = arith.constant 0 : i32
      %dma_wait3A_267 = arith.constant 0 : i32
      %dma_wait3A_268 = tpu.memref_slice %arg6[%dma_wait3A_265, %dma_wait3A_266, %dma_wait3A_267] : memref<4x400x64xf32, #tpu.memory_space<vmem>> -> memref<1x400x64xf32, #tpu.memory_space<vmem>>
      %dma_wait3A_269 = tpu.memref_squeeze %dma_wait3A_268 : memref<1x400x64xf32, #tpu.memory_space<vmem>> -> memref<400x64xf32, #tpu.memory_space<vmem>>
      %dma_wait3A_270 = arith.constant 1200 : i32
      %dma_wait3A_271 = tpu.memref_slice %arg5[%dma_wait3A_270] : memref<1600xi32, #tpu.memory_space<vmem>> -> memref<400xi32, #tpu.memory_space<vmem>>
      %dma_wait3A_272 = arith.constant 0 : i32
      %dma_wait3A_273 = arith.constant 0 : i32
      %dma_wait3A_274 = tpu.memref_slice %arg3[%dma_wait3A_272, %dma_wait3A_273] : memref<100000x64xf32, #tpu.memory_space<hbm>> -> memref<100000x64xf32, #tpu.memory_space<hbm>>
      tpu.wait_indirect_dma semaphore(%arg14 : memref<!tpu.dma_semaphore, #tpu.memory_space<semaphore_mem>>) src(%dma_wait3A_274 : memref<100000x64xf32, #tpu.memory_space<hbm>>) dst(%dma_wait3A_269 : memref<400x64xf32, #tpu.memory_space<vmem>>)
      %dma_start3A_275 = arith.constant 3 : i32
      %dma_start3A_276 = arith.constant 0 : i32
      %dma_start3A_277 = arith.constant 0 : i32
      %dma_start3A_278 = tpu.memref_slice %arg6[%dma_start3A_275, %dma_start3A_276, %dma_start3A_277] : memref<4x400x64xf32, #tpu.memory_space<vmem>> -> memref<1x400x64xf32, #tpu.memory_space<vmem>>
      %dma_start3A_279 = tpu.memref_squeeze %dma_start3A_278 : memref<1x400x64xf32, #tpu.memory_space<vmem>> -> memref<400x64xf32, #tpu.memory_space<vmem>>
      %dma_start3A_280 = arith.constant 0 : i32
      %dma_start3A_281 = tpu.memref_slice %arg4[%add3A_264, %dma_start3A_280] : memref<3276800x128xf32, #tpu.memory_space<hbm>> -> memref<400x64xf32, #tpu.memory_space<hbm>>
      %dma_start3A_282 = arith.constant 0 : i32
      %dma_start3A_283 = tpu.memref_slice %arg4[%add3A_264, %dma_start3A_282] : memref<3276800x128xf32, #tpu.memory_space<hbm>> -> memref<400x64xf32, #tpu.memory_space<hbm>>
      %dma_start3A_284 = arith.constant 0 : i32
      %dma_start3A_285 = arith.constant 0 : i32
      %dma_start3A_286 = tpu.memref_slice %arg6[%dma_start3A_275, %dma_start3A_284, %dma_start3A_285] : memref<4x400x64xf32, #tpu.memory_space<vmem>> -> memref<1x400x64xf32, #tpu.memory_space<vmem>>
      %dma_start3A_287 = tpu.memref_squeeze %dma_start3A_286 : memref<1x400x64xf32, #tpu.memory_space<vmem>> -> memref<400x64xf32, #tpu.memory_space<vmem>>
      tpu.enqueue_dma source(%dma_start3A_287 : memref<400x64xf32, #tpu.memory_space<vmem>>) target(%dma_start3A_283 : memref<400x64xf32, #tpu.memory_space<hbm>>) target_semaphore(%arg18 : memref<!tpu.dma_semaphore, #tpu.memory_space<semaphore_mem>>)
      %add3A_288 = arith.constant 4 : i32
      %add3A_289 = arith.addi %add3A_261, %add3A_288 : i32
      %lt3A_290 = arith.constant 256 : i32
      %lt3A_291 = arith.cmpi slt, %add3A_289, %lt3A_290 : i32
      %convert_element_type3A_292 = arith.extui %lt3A_291 : i1 to i32
      %cond3A_293 = arith.constant 0 : i32
      %cond3A_294 = arith.cmpi ne, %convert_element_type3A_292, %cond3A_293 : i32
      scf.if %cond3A_294 {
        %add3A_303 = arith.constant 1600 : i32
        %add3A_304 = arith.addi %add3A_264, %add3A_303 : i32
        %dma_start3A_305 = arith.constant 1200 : i32
        %dma_start3A_306 = tpu.memref_slice %arg5[%dma_start3A_305] : memref<1600xi32, #tpu.memory_space<vmem>> -> memref<400xi32, #tpu.memory_space<vmem>>
        %dma_start3A_307 = tpu.memref_slice %arg2[%add3A_304] : memref<3276800xi32, #tpu.memory_space<hbm>> -> memref<400xi32, #tpu.memory_space<hbm>>
        %dma_start3A_308 = arith.constant 1200 : i32
        %dma_start3A_309 = tpu.memref_slice %arg5[%dma_start3A_308] : memref<1600xi32, #tpu.memory_space<vmem>> -> memref<400xi32, #tpu.memory_space<vmem>>
        %dma_start3A_310 = tpu.memref_slice %arg2[%add3A_304] : memref<3276800xi32, #tpu.memory_space<hbm>> -> memref<400xi32, #tpu.memory_space<hbm>>
        tpu.enqueue_dma source(%dma_start3A_310 : memref<400xi32, #tpu.memory_space<hbm>>) target(%dma_start3A_309 : memref<400xi32, #tpu.memory_space<vmem>>) target_semaphore(%arg10 : memref<!tpu.dma_semaphore, #tpu.memory_space<semaphore_mem>>)
      } else {
      }
      %add3A_295 = arith.constant 2 : i32
      %add3A_296 = arith.addi %add3A_261, %add3A_295 : i32
      %lt3A_297 = arith.constant 256 : i32
      %lt3A_298 = arith.cmpi slt, %add3A_296, %lt3A_297 : i32
      %convert_element_type3A_299 = arith.extui %lt3A_298 : i1 to i32
      %cond3A_300 = arith.constant 0 : i32
      %cond3A_301 = arith.cmpi ne, %convert_element_type3A_299, %cond3A_300 : i32
      scf.if %cond3A_301 {
        %dma_wait3A_303 = arith.constant 400 : i32
        %dma_wait3A_304 = tpu.memref_slice %arg5[%dma_wait3A_303] : memref<1600xi32, #tpu.memory_space<vmem>> -> memref<400xi32, #tpu.memory_space<vmem>>
        %dma_wait3A_305 = tpu.memref_slice %arg2[%add3A_264] : memref<3276800xi32, #tpu.memory_space<hbm>> -> memref<400xi32, #tpu.memory_space<hbm>>
        %dma_wait3A_306 = arith.constant 400 : i32
        %dma_wait3A_307 = tpu.memref_slice %arg5[%dma_wait3A_306] : memref<1600xi32, #tpu.memory_space<vmem>> -> memref<400xi32, #tpu.memory_space<vmem>>
        %dma_wait3A_308 = tpu.memref_slice %arg2[%add3A_264] : memref<3276800xi32, #tpu.memory_space<hbm>> -> memref<400xi32, #tpu.memory_space<hbm>>
        tpu.wait_dma2 semaphore(%arg8 : memref<!tpu.dma_semaphore, #tpu.memory_space<semaphore_mem>>) src(%dma_wait3A_308 : memref<400xi32, #tpu.memory_space<hbm>>) dst(%dma_wait3A_307 : memref<400xi32, #tpu.memory_space<vmem>>)
        %ge3A = arith.constant 2 : i32
        %ge3A_309 = arith.cmpi sge, %add3A_261, %ge3A : i32
        %convert_element_type3A_310 = arith.extui %ge3A_309 : i1 to i32
        %cond3A_311 = arith.constant 0 : i32
        %cond3A_312 = arith.cmpi ne, %convert_element_type3A_310, %cond3A_311 : i32
        scf.if %cond3A_312 {
          %dma_wait3A_323 = arith.constant 1 : i32
          %dma_wait3A_324 = arith.constant 0 : i32
          %dma_wait3A_325 = arith.constant 0 : i32
          %dma_wait3A_326 = tpu.memref_slice %arg6[%dma_wait3A_323, %dma_wait3A_324, %dma_wait3A_325] : memref<4x400x64xf32, #tpu.memory_space<vmem>> -> memref<1x400x64xf32, #tpu.memory_space<vmem>>
          %dma_wait3A_327 = tpu.memref_squeeze %dma_wait3A_326 : memref<1x400x64xf32, #tpu.memory_space<vmem>> -> memref<400x64xf32, #tpu.memory_space<vmem>>
          %dma_wait3A_328 = arith.constant 0 : i32
          %dma_wait3A_329 = tpu.memref_slice %arg4[%add3A_264, %dma_wait3A_328] : memref<3276800x128xf32, #tpu.memory_space<hbm>> -> memref<400x64xf32, #tpu.memory_space<hbm>>
          %dma_wait3A_330 = arith.constant 0 : i32
          %dma_wait3A_331 = tpu.memref_slice %arg4[%add3A_264, %dma_wait3A_330] : memref<3276800x128xf32, #tpu.memory_space<hbm>> -> memref<400x64xf32, #tpu.memory_space<hbm>>
          %dma_wait3A_332 = arith.constant 0 : i32
          %dma_wait3A_333 = arith.constant 0 : i32
          %dma_wait3A_334 = tpu.memref_slice %arg6[%dma_wait3A_323, %dma_wait3A_332, %dma_wait3A_333] : memref<4x400x64xf32, #tpu.memory_space<vmem>> -> memref<1x400x64xf32, #tpu.memory_space<vmem>>
          %dma_wait3A_335 = tpu.memref_squeeze %dma_wait3A_334 : memref<1x400x64xf32, #tpu.memory_space<vmem>> -> memref<400x64xf32, #tpu.memory_space<vmem>>
          tpu.wait_dma2 semaphore(%arg16 : memref<!tpu.dma_semaphore, #tpu.memory_space<semaphore_mem>>) src(%dma_wait3A_335 : memref<400x64xf32, #tpu.memory_space<vmem>>) dst(%dma_wait3A_331 : memref<400x64xf32, #tpu.memory_space<hbm>>)
        } else {
        }
        %dma_start3A_313 = arith.constant 1 : i32
        %dma_start3A_314 = arith.constant 0 : i32
        %dma_start3A_315 = arith.constant 0 : i32
        %dma_start3A_316 = tpu.memref_slice %arg6[%dma_start3A_313, %dma_start3A_314, %dma_start3A_315] : memref<4x400x64xf32, #tpu.memory_space<vmem>> -> memref<1x400x64xf32, #tpu.memory_space<vmem>>
        %dma_start3A_317 = tpu.memref_squeeze %dma_start3A_316 : memref<1x400x64xf32, #tpu.memory_space<vmem>> -> memref<400x64xf32, #tpu.memory_space<vmem>>
        %dma_start3A_318 = arith.constant 400 : i32
        %dma_start3A_319 = tpu.memref_slice %arg5[%dma_start3A_318] : memref<1600xi32, #tpu.memory_space<vmem>> -> memref<400xi32, #tpu.memory_space<vmem>>
        %dma_start3A_320 = arith.constant 0 : i32
        %dma_start3A_321 = arith.constant 0 : i32
        %dma_start3A_322 = tpu.memref_slice %arg3[%dma_start3A_320, %dma_start3A_321] : memref<100000x64xf32, #tpu.memory_space<hbm>> -> memref<100000x64xf32, #tpu.memory_space<hbm>>
        tpu.enqueue_indirect_dma source(%dma_start3A_322 : memref<100000x64xf32, #tpu.memory_space<hbm>>) target(%dma_start3A_317 : memref<400x64xf32, #tpu.memory_space<vmem>>) offsets(%dma_start3A_319 : memref<400xi32, #tpu.memory_space<vmem>>) semaphore(%arg12 : memref<!tpu.dma_semaphore, #tpu.memory_space<semaphore_mem>>)
      } else {
      }
      %scan3A_302 = arith.constant 0 : i32
      scf.yield %scan3A_302 : i32
    }
    %scan3A_74 = arith.constant 64 : i32
    %dma_wait3A_75 = arith.constant 0 : i32
    %dma_wait3A_76 = arith.constant 0 : i32
    %dma_wait3A_77 = arith.constant 0 : i32
    %dma_wait3A_78 = tpu.memref_slice %arg6[%dma_wait3A_75, %dma_wait3A_76, %dma_wait3A_77] : memref<4x400x64xf32, #tpu.memory_space<vmem>> -> memref<1x400x64xf32, #tpu.memory_space<vmem>>
    %dma_wait3A_79 = tpu.memref_squeeze %dma_wait3A_78 : memref<1x400x64xf32, #tpu.memory_space<vmem>> -> memref<400x64xf32, #tpu.memory_space<vmem>>
    %dma_wait3A_80 = arith.constant 0 : i32
    %dma_wait3A_81 = tpu.memref_slice %arg4[%mul3A_2, %dma_wait3A_80] : memref<3276800x128xf32, #tpu.memory_space<hbm>> -> memref<400x64xf32, #tpu.memory_space<hbm>>
    %dma_wait3A_82 = arith.constant 0 : i32
    %dma_wait3A_83 = tpu.memref_slice %arg4[%mul3A_2, %dma_wait3A_82] : memref<3276800x128xf32, #tpu.memory_space<hbm>> -> memref<400x64xf32, #tpu.memory_space<hbm>>
    %dma_wait3A_84 = arith.constant 0 : i32
    %dma_wait3A_85 = arith.constant 0 : i32
    %dma_wait3A_86 = tpu.memref_slice %arg6[%dma_wait3A_75, %dma_wait3A_84, %dma_wait3A_85] : memref<4x400x64xf32, #tpu.memory_space<vmem>> -> memref<1x400x64xf32, #tpu.memory_space<vmem>>
    %dma_wait3A_87 = tpu.memref_squeeze %dma_wait3A_86 : memref<1x400x64xf32, #tpu.memory_space<vmem>> -> memref<400x64xf32, #tpu.memory_space<vmem>>
    tpu.wait_dma2 semaphore(%arg15 : memref<!tpu.dma_semaphore, #tpu.memory_space<semaphore_mem>>) src(%dma_wait3A_87 : memref<400x64xf32, #tpu.memory_space<vmem>>) dst(%dma_wait3A_83 : memref<400x64xf32, #tpu.memory_space<hbm>>)
    %dma_wait3A_88 = arith.constant 1 : i32
    %dma_wait3A_89 = arith.constant 0 : i32
    %dma_wait3A_90 = arith.constant 0 : i32
    %dma_wait3A_91 = tpu.memref_slice %arg6[%dma_wait3A_88, %dma_wait3A_89, %dma_wait3A_90] : memref<4x400x64xf32, #tpu.memory_space<vmem>> -> memref<1x400x64xf32, #tpu.memory_space<vmem>>
    %dma_wait3A_92 = tpu.memref_squeeze %dma_wait3A_91 : memref<1x400x64xf32, #tpu.memory_space<vmem>> -> memref<400x64xf32, #tpu.memory_space<vmem>>
    %dma_wait3A_93 = arith.constant 0 : i32
    %dma_wait3A_94 = tpu.memref_slice %arg4[%mul3A_2, %dma_wait3A_93] : memref<3276800x128xf32, #tpu.memory_space<hbm>> -> memref<400x64xf32, #tpu.memory_space<hbm>>
    %dma_wait3A_95 = arith.constant 0 : i32
    %dma_wait3A_96 = tpu.memref_slice %arg4[%mul3A_2, %dma_wait3A_95] : memref<3276800x128xf32, #tpu.memory_space<hbm>> -> memref<400x64xf32, #tpu.memory_space<hbm>>
    %dma_wait3A_97 = arith.constant 0 : i32
    %dma_wait3A_98 = arith.constant 0 : i32
    %dma_wait3A_99 = tpu.memref_slice %arg6[%dma_wait3A_88, %dma_wait3A_97, %dma_wait3A_98] : memref<4x400x64xf32, #tpu.memory_space<vmem>> -> memref<1x400x64xf32, #tpu.memory_space<vmem>>
    %dma_wait3A_100 = tpu.memref_squeeze %dma_wait3A_99 : memref<1x400x64xf32, #tpu.memory_space<vmem>> -> memref<400x64xf32, #tpu.memory_space<vmem>>
    tpu.wait_dma2 semaphore(%arg16 : memref<!tpu.dma_semaphore, #tpu.memory_space<semaphore_mem>>) src(%dma_wait3A_100 : memref<400x64xf32, #tpu.memory_space<vmem>>) dst(%dma_wait3A_96 : memref<400x64xf32, #tpu.memory_space<hbm>>)
    %dma_wait3A_101 = arith.constant 2 : i32
    %dma_wait3A_102 = arith.constant 0 : i32
    %dma_wait3A_103 = arith.constant 0 : i32
    %dma_wait3A_104 = tpu.memref_slice %arg6[%dma_wait3A_101, %dma_wait3A_102, %dma_wait3A_103] : memref<4x400x64xf32, #tpu.memory_space<vmem>> -> memref<1x400x64xf32, #tpu.memory_space<vmem>>
    %dma_wait3A_105 = tpu.memref_squeeze %dma_wait3A_104 : memref<1x400x64xf32, #tpu.memory_space<vmem>> -> memref<400x64xf32, #tpu.memory_space<vmem>>
    %dma_wait3A_106 = arith.constant 0 : i32
    %dma_wait3A_107 = tpu.memref_slice %arg4[%mul3A_2, %dma_wait3A_106] : memref<3276800x128xf32, #tpu.memory_space<hbm>> -> memref<400x64xf32, #tpu.memory_space<hbm>>
    %dma_wait3A_108 = arith.constant 0 : i32
    %dma_wait3A_109 = tpu.memref_slice %arg4[%mul3A_2, %dma_wait3A_108] : memref<3276800x128xf32, #tpu.memory_space<hbm>> -> memref<400x64xf32, #tpu.memory_space<hbm>>
    %dma_wait3A_110 = arith.constant 0 : i32
    %dma_wait3A_111 = arith.constant 0 : i32
    %dma_wait3A_112 = tpu.memref_slice %arg6[%dma_wait3A_101, %dma_wait3A_110, %dma_wait3A_111] : memref<4x400x64xf32, #tpu.memory_space<vmem>> -> memref<1x400x64xf32, #tpu.memory_space<vmem>>
    %dma_wait3A_113 = tpu.memref_squeeze %dma_wait3A_112 : memref<1x400x64xf32, #tpu.memory_space<vmem>> -> memref<400x64xf32, #tpu.memory_space<vmem>>
    tpu.wait_dma2 semaphore(%arg17 : memref<!tpu.dma_semaphore, #tpu.memory_space<semaphore_mem>>) src(%dma_wait3A_113 : memref<400x64xf32, #tpu.memory_space<vmem>>) dst(%dma_wait3A_109 : memref<400x64xf32, #tpu.memory_space<hbm>>)
    %dma_wait3A_114 = arith.constant 3 : i32
    %dma_wait3A_115 = arith.constant 0 : i32
    %dma_wait3A_116 = arith.constant 0 : i32
    %dma_wait3A_117 = tpu.memref_slice %arg6[%dma_wait3A_114, %dma_wait3A_115, %dma_wait3A_116] : memref<4x400x64xf32, #tpu.memory_space<vmem>> -> memref<1x400x64xf32, #tpu.memory_space<vmem>>
    %dma_wait3A_118 = tpu.memref_squeeze %dma_wait3A_117 : memref<1x400x64xf32, #tpu.memory_space<vmem>> -> memref<400x64xf32, #tpu.memory_space<vmem>>
    %dma_wait3A_119 = arith.constant 0 : i32
    %dma_wait3A_120 = tpu.memref_slice %arg4[%mul3A_2, %dma_wait3A_119] : memref<3276800x128xf32, #tpu.memory_space<hbm>> -> memref<400x64xf32, #tpu.memory_space<hbm>>
    %dma_wait3A_121 = arith.constant 0 : i32
    %dma_wait3A_122 = tpu.memref_slice %arg4[%mul3A_2, %dma_wait3A_121] : memref<3276800x128xf32, #tpu.memory_space<hbm>> -> memref<400x64xf32, #tpu.memory_space<hbm>>
    %dma_wait3A_123 = arith.constant 0 : i32
    %dma_wait3A_124 = arith.constant 0 : i32
    %dma_wait3A_125 = tpu.memref_slice %arg6[%dma_wait3A_114, %dma_wait3A_123, %dma_wait3A_124] : memref<4x400x64xf32, #tpu.memory_space<vmem>> -> memref<1x400x64xf32, #tpu.memory_space<vmem>>
    %dma_wait3A_126 = tpu.memref_squeeze %dma_wait3A_125 : memref<1x400x64xf32, #tpu.memory_space<vmem>> -> memref<400x64xf32, #tpu.memory_space<vmem>>
    tpu.wait_dma2 semaphore(%arg18 : memref<!tpu.dma_semaphore, #tpu.memory_space<semaphore_mem>>) src(%dma_wait3A_126 : memref<400x64xf32, #tpu.memory_space<vmem>>) dst(%dma_wait3A_122 : memref<400x64xf32, #tpu.memory_space<hbm>>)
    return
  }
}

</mosaic_0001>

<sc_bundles>
// kernel: _gather_flat.3.cloned.1.call-start
scs
__scs_entry_jumppad:
0x0: {  	(pc) =	sbr.rel $0x88, $3  }
0x1: {  	(tag) =	ssettag $0x0;
	lr =	simm.s32 $0x1  }
0x2: {  	[smem:$0x3F9F] =	sst lr;
	_ =	strace $0xD0000000  }
0x3: {  	_ = 	snop  }
0x4: {  	_ = 	snop  }
0x5: {  	_ = 	snop  }
0x6: {  	_ = 	snop  }
0x7: {  	_ = 	snop  }
__scs_overlays_trampoline_lowered:
0x8: {  	[smem:$0x3FAE] =	sst s0  }
0x9: {  	[smem:$0x3FAF] =	sst s1  }
0xa: {  	[smem:$0x3FB0] =	sst s2  }
0xb: {  	[smem:$0x3FB1] =	sst s3  }
0xc: {  	[smem:$0x3FB2] =	sst s4  }
0xd: {  	[smem:$0x3FB3] =	sst s5  }
0xe: {  	[smem:$0x3FB4] =	sst s6  }
0xf: {  	[smem:$0x3FB5] =	sst s7  }
0x10: {  	[smem:$0x3FB6] =	sst s8  }
0x11: {  	[smem:$0x3FB7] =	sst s9;
	s0 =	simm.s32 @!p0 $0x0  }
0x12: {  	s1 =	sld [smem:$0x3F9D];
	s0 =	simm.s32 @p0 $0x1  }
0x13: {  	[smem:$0x3FB8] =	sst s0;
	s0 =	simm.s32 @!p1 $0x0  }
0x14: {  	s2 =	sld [smem:$0x3F9C];
	s0 =	simm.s32 @p1 $0x1  }
0x15: {  	[smem:$0x3FB9] =	sst s0;
	s0 =	simm.s32 @!p2 $0x0  }
0x16: {  	s3 =	sld [smem:$0x3FDB];
	s0 =	simm.s32 @p2 $0x1  }
0x17: {  	s4 =	simm.s32 $0x1BF5;
	[smem:$0x3FBB] =	sst s0  }
0x18: {  	s0 =	sld [smem:$0x3F9E];
	_ =	swait.ge [sflag:s4], $0x0  }
0x19: {  	s7 =	sld [smem:$0x3F9F]  }
0x1a: {  	s8 =	sadd.s32 $0xFFFFE003, lr  }
0x1b: {  	s9 =	sadd.s32 $0xFFFFFEF7, lr;
	s5 =	simm.s32 $0xFFFFFFFF;
	p2 =	slt.u32 s8, $0xFFFFF086  }
0x1c: {  	p1 =	slt.u32 s9, $0xF7A;
	s5 =	simm.s32 @!p2 $0x0  }
0x1d: {  	s5 =	simm.s32 @p1 $0x1;
	p0 =	seq.s32 s7, s2  }
0x1e: {  	s7 =	smul.u32 @!p0 $0xF7A, s2;
	p2 =	seq.s32 @!p0 s5, $0x0  }
0x1f: {  	s9 =	smul.u32 $0xF7A, s1;
	s8 =	simm.s32 @!p0 $0x1BF5;
	p2 =	por !p2, p0  }
0x20: {  	[sflag:s8] =	ssyncset.s32 @!p0 $0xFFFFF086;
	s6 =	sadd.s32 @!p0 s3, s7;
	s7 =	simm.s32 @!p0 $0x108  }
0x21: {  	s3 =	sadd.s32 s3, s9;
	s6 =	sadd.s32 @!p0 $0x88, s6;
	s7 =	simm.s32 @p2 $0x1082  }
0x22: {  	[simem:s7], [sflag:s8] =	dma.local @!p0 [hbm:s6], $0xF7A  }
0x23: {  	s9 =	sor.u32 $0xD0000000, s2;
	s6 =	simm.s32 $0x108;
	_ =	swait.ge @!p0 [sflag:s8], $0x0  }
0x24: {  	s3 =	sadd.s32 $0x88, s3;
	s6 =	simm.s32 @!p1 $0x1082;
	[sflag:s4] =	ssyncset.s32 $0xFFFFF086  }
0x25: {  	[simem:s6], [sflag:s4] =	dma.local [hbm:s3], $0xF7A  }
0x26: {  	[smem:$0x3F9F] =	sst s1;
	(tag) =	ssettag s2;
	_ =	strace s9  }
0x27: {  	s1 =	sld [smem:$0x3FAF]  }
0x28: {  	s2 =	sld [smem:$0x3FB0]  }
0x29: {  	s4 =	sld [smem:$0x3FB2]  }
0x2a: {  	p0 =	seq.s32 s5, $0x0;
	s5 =	sld [smem:$0x3FB3]  }
0x2b: {  	s6 =	sld [smem:$0x3FB4]  }
0x2c: {  	s7 =	sld [smem:$0x3FB5]  }
0x2d: {  	s3 =	simm.s32 $0x108;
	s8 =	sld [smem:$0x3FB6]  }
0x2e: {  	s3 =	simm.s32 @!p0 $0x1082;
	s9 =	sld [smem:$0x3FB7]  }
0x2f: {  	lr =	sadd.s32 s0, s3;
	s0 =	sld [smem:$0x3FAE]  }
0x30: {  	s3 =	sld [smem:$0x3FB1]  }
0x31: {  	[smem:$0x3FBA] =	sst s10  }
0x32: {  	s10 =	sld [smem:$0x3FB8];
	_ =	sdelay $0x3  }
0x33: {  	p0 =	seq.s32 s10, $0x1;
	s10 =	sld [smem:$0x3FBA];
	_ =	sdelay $0x3  }
0x34: {  	[smem:$0x3FBA] =	sst s10  }
0x35: {  	s10 =	sld [smem:$0x3FB9];
	_ =	sdelay $0x3  }
0x36: {  	p1 =	seq.s32 s10, $0x1;
	s10 =	sld [smem:$0x3FBA];
	_ =	sdelay $0x3  }
0x37: {  	[smem:$0x3FBA] =	sst s10  }
0x38: {  	s10 =	sld [smem:$0x3FBB]  }
0x39: {  	_ = 	snop;
	(pc) =	sbr.ind lr, $3  }
0x3a: {  	_ = 	snop  }
0x3b: {  	_ = 	snop  }
0x3c: {  	p2 =	seq.s32 s10, $0x1;
	s10 =	sld [smem:$0x3FBA]  }
0x3d: {  	_ =	shalt  }
0x3e: {  	_ =	shalt  }
0x3f: {  	_ =	shalt  }
0x40: {  	_ =	shalt  }
0x41: {  	_ =	shalt  }
0x42: {  	_ =	shalt  }
0x43: {  	_ =	shalt  }
0x44: {  	_ =	shalt  }
0x45: {  	_ =	shalt  }
0x46: {  	_ =	shalt  }
0x47: {  	_ =	shalt  }
0x48: {  	_ =	shalt  }
0x49: {  	_ =	shalt  }
0x4a: {  	_ =	shalt  }
0x4b: {  	_ =	shalt  }
0x4c: {  	_ =	shalt  }
0x4d: {  	_ =	shalt  }
0x4e: {  	_ =	shalt  }
0x4f: {  	_ =	shalt  }
0x50: {  	_ =	shalt  }
0x51: {  	_ =	shalt  }
0x52: {  	_ =	shalt  }
0x53: {  	_ =	shalt  }
0x54: {  	_ =	shalt  }
0x55: {  	_ =	shalt  }
0x56: {  	_ =	shalt  }
0x57: {  	_ =	shalt  }
0x58: {  	_ =	shalt  }
0x59: {  	_ =	shalt  }
0x5a: {  	_ =	shalt  }
0x5b: {  	_ =	shalt  }
0x5c: {  	_ =	shalt  }
0x5d: {  	_ =	shalt  }
0x5e: {  	_ =	shalt  }
0x5f: {  	_ =	shalt  }
0x60: {  	_ =	shalt  }
0x61: {  	_ =	shalt  }
0x62: {  	_ =	shalt  }
0x63: {  	_ =	shalt  }
0x64: {  	_ =	shalt  }
0x65: {  	_ =	shalt  }
0x66: {  	_ =	shalt  }
0x67: {  	_ =	shalt  }
0x68: {  	_ =	shalt  }
0x69: {  	_ =	shalt  }
0x6a: {  	_ =	shalt  }
0x6b: {  	_ =	shalt  }
0x6c: {  	_ =	shalt  }
0x6d: {  	_ =	shalt  }
0x6e: {  	_ =	shalt  }
0x6f: {  	_ =	shalt  }
0x70: {  	_ =	shalt  }
0x71: {  	_ =	shalt  }
0x72: {  	_ =	shalt  }
0x73: {  	_ =	shalt  }
0x74: {  	_ =	shalt  }
0x75: {  	_ =	shalt  }
0x76: {  	_ =	shalt  }
0x77: {  	_ =	shalt  }
0x78: {  	_ =	shalt  }
0x79: {  	_ =	shalt  }
0x7a: {  	_ =	shalt  }
0x7b: {  	_ =	shalt  }
0x7c: {  	_ =	shalt  }
0x7d: {  	_ =	shalt  }
0x7e: {  	_ =	shalt  }
0x7f: {  	_ =	shalt  }
0x80: {  	_ =	shalt  }
0x81: {  	_ =	shalt  }
0x82: {  	_ =	shalt  }
0x83: {  	_ =	shalt  }
0x84: {  	_ =	shalt  }
0x85: {  	_ =	shalt  }
0x86: {  	_ =	shalt  }
0x87: {  	_ =	shalt  }
.Lfunc_end0:
.L_simem_size_0:
called_computation_lowered:
.L_overlay_start_0:
0x88: {  	s2 =	sld [smem:$0x3FD9]  }
0x89: {  	s3 =	sld [smem:$0x3FFE];
	_ =	sdelay $0x1  }
0x8a: {  	s1 =	srdreg.scid  }
0x8b: {  	s0 =	sand.u32 $0x1, s1  }
0x8c: {  	s17 =	sshll.u32 s0, $0xA;
	s2 =	sadd.s32 s3, s2  }
0x8d: {  	s2 =	sadd.s32 s2, s17  }
0x8e: {  	[smem:$0x3FC6] =	sst s2  }
0x8f: {  	_ = 	snop  }
0x90: {  	s2 =	sld [smem:$0x3FC9]  }
0x91: {  	s18 =	sld [smem:$0x3FD0];
	(tm) =	ssettm $0x1  }
0x92: {  	s4 =	sld [smem:$0x3FFB];
	_ =	sdelay $0x3  }
0x93: {  	_ =	strace s4  }
0x94: {  	s4 =	sld [smem:$0x3FFC];
	_ =	sdelay $0x3  }
0x95: {  	_ =	strace s4  }
0x96: {  	s4 =	sld [smem:$0x3FFD];
	_ =	sdelay $0x3  }
0x97: {  	_ =	strace s4  }
0x98: {  	_ =	strace $0x8FFFFFFF  }
0x99: {  	s19 =	sld [smem:$0x3FDB];
	_ =	sdelay $0x1  }
0x9a: {  	s5 =	simm.s32 $_scs_section_size  }
0x9b: {  	s6 =	simm.s32 $_size__tile_overlayer_lowered;
	s7 =	simm.s32 $_tile_overlayer_lowered  }
0x9c: {  	s22 =	simm.s32 $0x1BFF;
	s21 =	sshll.u32 s7, $0x1;
	s4 =	sadd.s32 s5, s19  }
0x9d: {  	s8 =	simm.s32 $0x0;
	s20 =	sshll.u32 s6, $0x1;
	s6 =	sadd.s32 s21, s4  }
0x9e: {  	[timem:s8], [sflag:s22] =	dma.local [hbm:s6], s20  }
0x9f: {  	_ =	swait.ge [sflag:s22], s20  }
0xa0: {  	s5 =	ssub.s32 $0x0, s20;
	[sflag:s22] =	ssyncset.done $0x0  }
0xa1: {  	[sflag:s22] =	ssyncadd.s32 s5;
	_ =	sdelay $0x1  }
0xa2: {  	s23 =	simm.s32 $0x1B8B  }
0xa3: {  	_ =	swait.ge [sflag:s23], $0x1  }
0xa4: {  	[sflag:s23] =	ssyncset.done $0x0  }
0xa5: {  	s25 =	simm.s32 $0x1B8E;
	s24 =	sld [smem:$0x3FFE];
	[sflag:s23] =	ssyncadd.s32 $0xFFFFFFFF  }
0xa6: {  	s26 =	simm.s32 $execute0_lowered;
	[smem:$0x3FD2] =	sst s25  }
0xa7: {  	s6 =	sshll.u32 s26, $0x1;
	_ =	strace $0x80000046;
	[dreg:$0x1] =	wrdreg $0xFFFFFFFF  }
0xa8: {  	s28 =	simm.s32 $_size_execute0_lowered;
	s4 =	sadd.s32 s4, s6;
	[dreg:$0x0] =	wrdreg $0x0  }
0xa9: {  	s6 =	sshll.u32 s28, $0x1;
	[dreg:$0x2] =	wrdreg s4  }
0xaa: {  	[dreg:$0x3] =	wrdreg s6  }
0xab: {  	[dreg:$0x4] =	wrdreg $0xC0  }
0xac: {  	_ =	task [dreg:s8], $0x5FFFF  }
0xad: {  	[dreg:$0x1] =	wrdreg $0xFFFFFFFF  }
0xae: {  	[dreg:$0x0] =	wrdreg $0x60  }
0xaf: {  	[dreg:$0x2] =	wrdreg s2  }
0xb0: {  	[dreg:$0x3] =	wrdreg s24  }
0xb1: {  	[dreg:$0x4] =	wrdreg s18  }
0xb2: {  	[dreg:$0x5] =	wrdreg $0x9  }
0xb3: {  	_ =	task.clear_ibuf [dreg:s8], $0x6FFFF;
	_ =	strace $0x90000046  }
0xb4: {  	s29 =	simm.s32 $0x9;
	_ =	strace $0x80000048  }
0xb5: {  	_ =	swait.ge [sflag:s29], $0x1  }
0xb6: {  	[sflag:s29] =	ssyncadd.s32 $0xFFFFFFFF  }
0xb7: {  	_ =	strace $0x90000048  }
0xb8: {  	_ =	sfence  }
0xb9: {  	s30 =	sld [smem:$0x0];
	_ =	sdelay $0x2  }
0xba: {  	s31 =	sshll.u32 s1, $0xD;
	s1 =	sshrl.u32 s1, $0x2  }
0xbb: {  	s3 =	sand.u32 $0x4000, s31;
	s1 =	sadd.s32 s1, s30  }
0xbc: {  	s0 =	sor.u32 s3, s0;
	s1 =	sshll.u32 s1, $0x11  }
0xbd: {  	s0 =	sor.u32 s1, s0  }
0xbe: {  	s0 =	sadd.s32 $0x8F2B, s0  }
0xbf: {  	[sflag:s0] =	ssyncadd.remote.s32 $0x1  }
0xc0: {  	_ =	sfence.sel $0xFFFF  }
0xc1: {  	[dreg:$0x0] =	wrdreg $0xFFFFFFFF;
	(pc) =	sbr.abs _section_cstart, $3  }
0xc2: {  	[dreg:$0x1] =	wrdreg $0xFFFFFFFF  }
0xc3: {  	_ =	task.clear_ibuf [dreg:s8], $0x2FFFF;
	_ =	strace $0x9FFFFFFF  }
0xc4: {  	(tm) =	ssettm $0x7FFFFFFF  }
0xc5: {  	_ =	shalt  }
tec
execute0_lowered:
.L_overlay_start_1:
0x0: {  	(tag) =	ssettag $0x1  }
0x1: {  	s0 =	rddreg [dreg:$0x0]  }
0x2: {  	s1 =	rddreg [dreg:$0x1];
	s2 =	srdreg.scid  }
0x3: {  	s12 =	stileid.u32;
	s4 =	rddreg [dreg:$0x2]  }
0x4: {  	s28 =	simm.s32 $0x3;
	s29 =	simm.s32 $0xCE40;
	s7 =	smul.u32 $0x32000, s12  }
0x5: {  	s30 =	simm.s32 $0x6;
	s5 =	sand.u32 $0x1, s2;
	s24 =	smul.u32 $0x320000, s12  }
0x6: {  	s3 =	sshll.u32 s12, $0x1;
	s2 =	simm.s32 $0x0;
	s10 =	smul.u32 $0x19000, s5  }
0x7: {  	s3 =	sor.u32 s5, s3;
	s6 =	ssub.s32 $0x2, s5;
	s5 =	smul.u32 $0x190000, s5  }
0x8: {  	s31 =	simm.s32 $0x4;
	[smem:$0x7FF] =	sst s2;
	s3 =	smul.u32 $0x19000, s3  }
0x9: {  	_ =	strace $0x80000047;
	s8 =	sshrl.u32 s6, $0x1;
	s25 =	sadd.s32 s24, s4  }
0xa: {  	s24 =	simm.s32 $0x5;
	s13 =	ssub.s32 s6, s8;
	s17 =	sadd.s32 s10, s7  }
0xb: {  	s9 =	sshrl.u32 s3, $0x3;
	s3 =	sadd.s32 $0x400, s1;
	s1 =	smax.u32 s13, $0x1  }
0xc: {  	s19 =	sshll.u32 s17, $0x4;
	s20 =	sor.u32 $0xAF0, s17;
	s21 =	sor.u32 $0x960, s17  }
0xd: {  	s23 =	sor.u32 $0x7D0, s17;
	s6 =	sor.u32 $0x640, s17;
	s17 =	simm.s32 $0x190  }
0xe: {  	s14 =	sadd.s32 s0, s9;
	[dreg:$0x8] =	wrdreg s1;
	s1 =	sadd.s32 s19, s4  }
0xf: {  	s7 =	sshrl.u32 s20, $0x3;
	s8 =	sshrl.u32 s21, $0x3;
	s26 =	sshrl.u32 s6, $0x3  }
0x10: {  	s19 =	simm.s32 $0x4B0;
	s21 =	simm.s32 $0x640;
	s6 =	simm.s32 $0x8  }
0x11: {  	s15 =	sadd.s32 $0x32, s14;
	s16 =	sadd.s32 $0x64, s14;
	[dreg:$0x4] =	wrdreg s14  }
0x12: {  	s18 =	sadd.s32 $0x96, s14;
	s9 =	sadd.s32 $0x4B00, s1;
	[dreg:$0x5] =	wrdreg s15  }
0x13: {  	s7 =	sadd.s32 s7, s0;
	s11 =	sadd.s32 $0x3200, s1;
	[dreg:$0x6] =	wrdreg s16  }
0x14: {  	s22 =	sadd.s32 s8, s0;
	s13 =	sadd.s32 $0x1900, s1;
	[dreg:$0x7] =	wrdreg s18  }
0x15: {  	s1 =	sshrl.u32 s23, $0x3;
	s23 =	simm.s32 $0x6A40;
	[dreg:$0x9] =	wrdreg s7  }
.Ltmp0:
0x16: {  	s8 =	simm.s32 $0xA;
	[dreg:$0xa] =	wrdreg s22;
	(pc) =	sbr.rel .LBB2_1-.Ltmp0, $4  }
0x17: {  	s1 =	sadd.s32 s1, s0;
	s15 =	sadd.s32 s5, s25;
	s0 =	sadd.s32 s26, s0  }
0x18: {  	s22 =	simm.s32 $0x2;
	s25 =	simm.s32 $0x40;
	s26 =	simm.s32 $0x80  }
0x19: {  	s5 =	simm.s32 $0x7;
	s7 =	simm.s32 $0x0;
	[dreg:$0xb] =	wrdreg s1  }
0x1a: {  	[dreg:$0xc] =	wrdreg s0;
	s1 =	simm.s32 $0xC;
	s0 =	simm.s32 $0x13240  }
.LBB2_8:
0x1b: {  	s4 =	simm.s32 $0x9  }
0x1c: {  	_ =	swait.ge [sflag:s4], $0x6400  }
0x1d: {  	[sflag:s4] =	ssyncset.done $0x0  }
0x1e: {  	[sflag:s4] =	ssyncadd.s32 $0xFFFF9C00  }
0x1f: {  	_ =	swait.ge [sflag:s8], $0x6400  }
0x20: {  	[sflag:s8] =	ssyncset.done $0x0  }
0x21: {  	s18 =	simm.s32 $0xB;
	[sflag:s8] =	ssyncadd.s32 $0xFFFF9C00  }
0x22: {  	_ =	swait.ge [sflag:s18], $0x6400  }
0x23: {  	[sflag:s18] =	ssyncset.done $0x0  }
0x24: {  	[sflag:s18] =	ssyncadd.s32 $0xFFFF9C00  }
0x25: {  	_ =	swait.ge [sflag:s1], $0x6400  }
0x26: {  	s7 =	rddreg [dreg:$0xd]  }
0x27: {  	s20 =	rddreg [dreg:$0x8];
	s7 =	sadd.s32 $0x1, s7  }
0x28: {  	p0 =	sne.s32 s7, s20  }
.Ltmp1:
0x29: {  	_ = 	snop;
	(pc) =	sbr.rel @!p0 .LBB2_9-.Ltmp1, $3  }
0x2a: {  	_ =	sdelay $0x1  }
0x2b: {  	[sflag:s1] =	ssyncset.done $0x0  }
0x2c: {  	[sflag:s1] =	ssyncadd.s32 $0xFFFF9C00  }
.LBB2_1:
0x2d: {  	[dreg:$0xd] =	wrdreg s7  }
0x2e: {  	s4 =	rddreg [dreg:$0x4]  }
0x2f: {  	[tilespmem:s2], [sflag:$0x1] =	stream.linear.gather [hbm4b:s4+s2], $0x190, $0x38;
	[tilespmem:$0x19640] =	vst v63  }
0x30: {  	s12 =	rddreg [dreg:$0x5]  }
0x31: {  	[tilespmem:s17], [sflag:$0x2] =	stream.linear.gather [hbm4b:s12+s2], $0x190, $0x38;
	[tilespmem:$0x19640] =	vst v63  }
0x32: {  	s14 =	rddreg [dreg:$0x6];
	s16 =	simm.s32 $0x320  }
0x33: {  	[tilespmem:s16], [sflag:$0x3] =	stream.linear.gather [hbm4b:s14+s2], $0x190, $0x38;
	[tilespmem:$0x19640] =	vst v63  }
0x34: {  	s18 =	rddreg [dreg:$0x7];
	s20 =	simm.s32 $0x1  }
0x35: {  	[tilespmem:s19], [sflag:$0x4] =	stream.linear.gather [hbm4b:s18+s2], $0x190, $0x38;
	[tilespmem:$0x19640] =	vst v63  }
0x36: {  	_ =	swait.ge [sflag:s20], $0x190  }
0x37: {  	[sflag:s20] =	ssyncset.done $0x0  }
0x38: {  	[sflag:s20] =	ssyncadd.s32 $0xFFFFFE70  }
0x39: {  	[tilespmem:s21], [sflag:$0x5] =	stream.indirect.gather [hbm4b:s3+s17], $0x40, s2, s17, $0xb8;
	[tilespmem:$0x19640] =	vst v63  }
0x3a: {  	_ =	swait.ge [sflag:s22], $0x190  }
0x3b: {  	s16 =	rddreg [dreg:$0xc]  }
0x3c: {  	s14 =	rddreg [dreg:$0xb]  }
0x3d: {  	[sflag:s22] =	ssyncset.done $0x0;
	s12 =	rddreg [dreg:$0xa]  }
0x3e: {  	s7 =	simm.s32 $0x0;
	s20 =	rddreg [dreg:$0x9];
	[sflag:s22] =	ssyncadd.s32 $0xFFFFFE70  }
0x3f: {  	[tilespmem:s23], [sflag:$0x6] =	stream.indirect.gather [hbm4b:s3+s17], $0x40, s17, s17, $0xb8;
	[tilespmem:$0x19640] =	vst v63  }
.LBB2_2:
0x40: {  	_ =	swait.ge [sflag:s24], $0x6400  }
0x41: {  	[sflag:s24] =	ssyncset.done $0x0  }
0x42: {  	s10 =	sadd.s32 s7, s15;
	p0 =	seq.s32 s7, $0x189C00;
	[sflag:s24] =	ssyncadd.s32 $0xFFFF9C00  }
0x43: {  	[hbm4b:s10+s25] =	stream.strided.scatter [tilespmem:s21], [sflag:$0x9], $0x6400, s26, s25, $0x38;
	[tilespmem:$0x19640] =	vst v63  }
0x44: {  	s10 =	simm.s32 @!p0 $0x0  }
0x45: {  	[tilespmem:s10], [sflag:$0x1] =	stream.linear.gather @!p0 [hbm4b:s16+s10], $0x190, $0x38;
	[tilespmem:$0x19640] =	vst v63  }
0x46: {  	_ =	swait.ge [sflag:s28], $0x190  }
0x47: {  	p1 =	seq.s32 s7, $0x0;
	[sflag:s28] =	ssyncset.done $0x0  }
0x48: {  	s10 =	simm.s32 @!p1 $0xB;
	[sflag:s28] =	ssyncadd.s32 $0xFFFFFE70  }
0x49: {  	_ =	swait.ge @!p1 [sflag:s10], $0x6400  }
0x4a: {  	[sflag:s10] =	ssyncset.done @!p1 $0x0  }
0x4b: {  	s4 =	simm.s32 $0x320;
	p2 =	sne.s32 s7, $0x189C00;
	[sflag:s10] =	ssyncadd.s32 @!p1 $0xFFFF9C00  }
0x4c: {  	[tilespmem:s29], [sflag:$0x7] =	stream.indirect.gather [hbm4b:s3+s17], $0x40, s4, s17, $0xb8;
	[tilespmem:$0x19640] =	vst v63  }
.Ltmp2:
0x4d: {  	_ = 	snop;
	(pc) =	sbr.rel @p2 .LBB2_4-.Ltmp2, $4  }
0x4e: {  	_ =	swait.ge [sflag:s30], $0x6400  }
0x4f: {  	[sflag:s30] =	ssyncset.done $0x0  }
0x50: {  	s18 =	sadd.s32 s7, s13;
	[sflag:s30] =	ssyncadd.s32 $0xFFFF9C00  }
0x51: {  	[hbm4b:s18+s25] =	stream.strided.scatter [tilespmem:s23], [sflag:$0xA], $0x6400, s26, s25, $0x38;
	[tilespmem:$0x19640] =	vst v63  }
.Ltmp3:
0x52: {  	(pc) =	sbr.rel .LBB2_5-.Ltmp3, $4  }
0x53: {  	_ = 	snop  }
0x54: {  	_ =	swait.ge [sflag:s31], $0x190  }
0x55: {  	[sflag:s31] =	ssyncset.done $0x0  }
0x56: {  	[sflag:s31] =	ssyncadd.s32 $0xFFFFFE70  }
.LBB2_4:
.Ltmp4:
0x57: {  	(pc) =	sbr.rel @p1 .LBB2_6-.Ltmp4, $4  }
0x58: {  	[tilespmem:s17], [sflag:$0x2] =	stream.linear.gather [hbm4b:s14+s2], $0x190, $0x38;
	[tilespmem:$0x19640] =	vst v63  }
0x59: {  	_ =	swait.ge [sflag:s31], $0x190  }
0x5a: {  	[sflag:s31] =	ssyncset.done $0x0  }
0x5b: {  	[sflag:s31] =	ssyncadd.s32 $0xFFFFFE70  }
.LBB2_5:
0x5c: {  	_ =	swait.ge [sflag:s1], $0x6400  }
0x5d: {  	[sflag:s1] =	ssyncset.done $0x0  }
0x5e: {  	[sflag:s1] =	ssyncadd.s32 $0xFFFF9C00  }
.LBB2_6:
0x5f: {  	[tilespmem:s0], [sflag:$0x8] =	stream.indirect.gather [hbm4b:s3+s17], $0x40, s19, s17, $0xb8;
	[tilespmem:$0x19640] =	vst v63  }
0x60: {  	_ =	swait.ge [sflag:s5], $0x6400  }
0x61: {  	[sflag:s5] =	ssyncset.done $0x0  }
0x62: {  	s10 =	sadd.s32 s7, s11;
	[sflag:s5] =	ssyncadd.s32 $0xFFFF9C00  }
0x63: {  	[hbm4b:s10+s25] =	stream.strided.scatter [tilespmem:s29], [sflag:$0xB], $0x6400, s26, s25, $0x38;
	[tilespmem:$0x19640] =	vst v63  }
0x64: {  	s4 =	simm.s32 @!p0 $0x320;
	s10 =	simm.s32 @!p0 $0x0  }
0x65: {  	[tilespmem:s4], [sflag:$0x3] =	stream.linear.gather @!p0 [hbm4b:s12+s10], $0x190, $0x38;
	[tilespmem:$0x19640] =	vst v63  }
0x66: {  	s4 =	simm.s32 @!p0 $0x1  }
0x67: {  	_ =	swait.ge @!p0 [sflag:s4], $0x190  }
0x68: {  	[sflag:s4] =	ssyncset.done @!p0 $0x0  }
0x69: {  	[sflag:s4] =	ssyncadd.s32 @!p0 $0xFFFFFE70;
	s4 =	simm.s32 @!p0 $0x9  }
0x6a: {  	_ =	swait.ge @!p0 [sflag:s4], $0x6400  }
0x6b: {  	[sflag:s4] =	ssyncset.done @!p0 $0x0  }
0x6c: {  	s18 =	simm.s32 @!p0 $0x640;
	[sflag:s4] =	ssyncadd.s32 @!p0 $0xFFFF9C00;
	s4 =	simm.s32 @!p0 $0x190  }
0x6d: {  	[tilespmem:s18], [sflag:$0x5] =	stream.indirect.gather @!p0 [hbm4b:s3+s4], $0x40, s10, s4, $0xb8;
	[tilespmem:$0x19640] =	vst v63  }
.Ltmp5:
0x6e: {  	_ = 	snop;
	(pc) =	sbr.rel @p0 .LBB2_8-.Ltmp5, $4  }
0x6f: {  	_ =	swait.ge [sflag:s6], $0x6400  }
0x70: {  	[sflag:s6] =	ssyncset.done $0x0  }
0x71: {  	s18 =	sadd.s32 s7, s9;
	[sflag:s6] =	ssyncadd.s32 $0xFFFF9C00  }
0x72: {  	[hbm4b:s18+s25] =	stream.strided.scatter [tilespmem:s0], [sflag:$0xC], $0x6400, s26, s25, $0x38;
	[tilespmem:$0x19640] =	vst v63  }
0x73: {  	[tilespmem:s19], [sflag:$0x4] =	stream.linear.gather [hbm4b:s20+s2], $0x190, $0x38;
	[tilespmem:$0x19640] =	vst v63  }
0x74: {  	_ =	swait.ge [sflag:s22], $0x190  }
0x75: {  	[sflag:s22] =	ssyncset.done $0x0  }
.Ltmp6:
0x76: {  	[sflag:s22] =	ssyncadd.s32 $0xFFFFFE70;
	(pc) =	sbr.rel .LBB2_2-.Ltmp6, $4  }
0x77: {  	s7 =	sadd.s32 $0x6400, s7;
	_ =	swait.ge [sflag:s8], $0x6400  }
0x78: {  	s20 =	sadd.s32 $0xC8, s20;
	s12 =	sadd.s32 $0xC8, s12;
	[sflag:s8] =	ssyncset.done $0x0  }
0x79: {  	s14 =	sadd.s32 $0xC8, s14;
	s16 =	sadd.s32 $0xC8, s16;
	[sflag:s8] =	ssyncadd.s32 $0xFFFF9C00  }
0x7a: {  	[tilespmem:s23], [sflag:$0x6] =	stream.indirect.gather [hbm4b:s3+s17], $0x40, s17, s17, $0xb8;
	[tilespmem:$0x19640] =	vst v63  }
.LBB2_9:
0x7b: {  	_ =	sfence.sel $0x180000  }
0x7c: {  	[bflag:$0x0] =	sbarrier.arrive $0xFFFF  }
0x7d: {  	_ =	strace $0x90000047  }
0x7e: {  	s0 =	stileid.u32;
	[bflag:$0x2] =	sbarrier.arrive $0xFFFF  }
0x7f: {  	p0 =	sne.s32 s0, $0x0;
	s0 =	rddreg [dreg:$0x3]  }
0x80: {  	s0 =	sadd.s32 @!p0 $0x100000, s0  }
0x81: {  	[sflag:s0] =	ssyncadd.tile.s32 @!p0 $0x1;
	_ =	shalt  }
.Lfunc_end2:
_tile_overlayer_lowered:
.L_overlay_start_2:
0x82: {  	(tag) =	ssettag $0x2  }
0x83: {  	s0 =	rddreg [dreg:$0x0];
	s2 =	stileid.u32  }
0x84: {  	s1 =	rddreg [dreg:$0x1];
	p0 =	sne.s32 s2, $0x0  }
0x85: {  	s3 =	rddreg [dreg:$0x2];
	[bflag:$0x3] =	sbarrier.arrive $0xFFFF;
	s2 =	simm.s32 @!p0 $0x1C0D  }
0x86: {  	[timem:s3], [sflag:s2] =	dma.local @!p0 [hbm:s0], s1  }
0x87: {  	s0 =	simm.s32 @!p0 $0xD  }
0x88: {  	_ =	swait.ge @!p0 [sflag:s0], s1  }
0x89: {  	s1 =	ssub.s32 @!p0 $0x0, s1;
	[sflag:s0] =	ssyncset.done @!p0 $0x0  }
0x8a: {  	[sflag:s0] =	ssyncadd.s32 @!p0 s1  }
0x8b: {  	[bflag:$0x3] =	sbarrier.arrive $0xFFFF  }
0x8c: {  	_ =	shalt  }

</sc_bundles>
